<compile_context>
chip_gen: v7x
topology: tpu7x:2x2x1
jax: 0.10.2.dev20260603
libtpu: 0.0.44.dev20260713+nightly
codegen_flags: <defaults>
</compile_context>

<pallas_src>
import functools

import jax
import jax.numpy as jnp
from jax import lax
from jax.experimental import pallas as pl
from jax.experimental.pallas import tpu as pltpu
from jax.experimental.pallas import tpu_sc as plsc

_N_NODES = 10000
_N_PAD = 10240
_N_EDGES = 320000
_DIM = 128
_NC = 2
_NS = 16
_NW = _NC * _NS
_K = 80
_CPW = 125
_RPT = _N_PAD // _NS
_ZR = _K
_NU = 5


def _sc_aggregate(x, src_p, dst_p):
    mesh = plsc.VectorSubcoreMesh(core_axis_name="c", subcore_axis_name="s")

    @functools.partial(
        pl.kernel,
        out_type=jax.ShapeDtypeStruct((_NC, _N_PAD, _DIM), jnp.float32),
        mesh=mesh,
        scratch_types=[
            pltpu.VMEM_SHARED((_N_PAD, _DIM), jnp.float32),
            [pltpu.VMEM((_K, _DIM), jnp.float32)] * 2,
            [pltpu.VMEM((_K,), jnp.int32)] * _NU,
            [pltpu.VMEM((_K,), jnp.int32)] * _NU,
            pltpu.SemaphoreType.DMA,
            pltpu.SemaphoreType.DMA,
            [pltpu.SemaphoreType.DMA] * _NU,
            [pltpu.SemaphoreType.DMA] * _NU,
        ],
    )
    def k(x_hbm, src_hbm, dst_hbm, out_hbm, accum, rows, sbuf, dbuf, gsem,
          scsem, ssem, dsem):
        c = lax.axis_index("c")
        s = lax.axis_index("s")
        w = s * _NC + c
        e0 = w * _CPW * _K

        def zero_row(r, carry):
            for j in range(_DIM // 16):
                rows[0][r, pl.ds(j * 16, 16)] = jnp.zeros((16,), jnp.float32)
            return carry

        lax.fori_loop(0, _ZR, zero_row, 0)
        row0 = s * _RPT
        zd = [
            pltpu.async_copy(
                rows[0], accum.at[pl.ds(row0 + j * _ZR, _ZR)], gsem)
            for j in range(_RPT // _ZR)
        ]
        for d in zd:
            d.wait()
        plsc.subcore_barrier()

        def sload(j, p):
            return pltpu.async_copy(
                src_hbm.at[pl.ds(e0 + j * _K, _K)], sbuf[p], ssem[p])

        def dload(j, p):
            return pltpu.async_copy(
                dst_hbm.at[pl.ds(e0 + j * _K, _K)], dbuf[p], dsem[p])

        def quad(i, carry):
            j0 = _NU * i
            sd = [sload(j0 + t, t) for t in range(_NU)]
            dd = [dload(j0 + t, t) for t in range(_NU)]
            sc = None
            for t in range(_NU):
                sd[t].wait()
                g = pltpu.async_copy(x_hbm.at[sbuf[t]], rows[t % 2], gsem)
                if sc is not None:
                    sc.wait()
                g.wait()
                dd[t].wait()
                sc = pltpu.async_copy(rows[t % 2], accum.at[dbuf[t]],
                                      scsem, add=True)
            sc.wait()
            return carry

        lax.fori_loop(0, _CPW // _NU, quad, 0)
        plsc.subcore_barrier()

        wd = [
            pltpu.async_copy(
                accum.at[pl.ds(row0 + j * _ZR, _ZR)],
                out_hbm.at[c].at[pl.ds(row0 + j * _ZR, _ZR)], gsem)
            for j in range(_RPT // _ZR)
        ]
        for d in wd:
            d.wait()

    return k(x, src_p, dst_p)


def _mm_relu(partials, W):
    blk = 2048

    def body(p0_ref, p1_ref, w_ref, o_ref):
        ssum = p0_ref[...] + p1_ref[...]
        o_ref[...] = jnp.maximum(
            jnp.dot(ssum, w_ref[...], preferred_element_type=jnp.float32),
            0.0)

    return pl.pallas_call(
        body,
        grid=(_N_PAD // blk,),
        in_specs=[
            pl.BlockSpec((blk, _DIM), lambda i: (i, 0)),
            pl.BlockSpec((blk, _DIM), lambda i: (i, 0)),
            pl.BlockSpec((_DIM, _DIM), lambda i: (0, 0)),
        ],
        out_specs=pl.BlockSpec((blk, _DIM), lambda i: (i, 0)),
        out_shape=jax.ShapeDtypeStruct((_N_NODES, _DIM), jnp.float32),
    )(partials[0], partials[1], W)


def kernel(x, edge_index, W):
    src = edge_index[1].astype(jnp.int32)
    dst = edge_index[0].astype(jnp.int32)
    partials = _sc_aggregate(x, src, dst)
    return _mm_relu(partials, W)

# --- scband reference (transcript-rebuilt; emitter-appended) ---
"""Pipeline reference for scband-graph-convolution-2-24644522344645 (READ-ONLY COPY).

The authoritative reference and input builder live on the scoring server;
editing this copy changes nothing except your own understanding.
"""

import jax, jax.numpy as jnp
import numpy as np

N_NODES = 10000
N_EDGES = 320000
IN_DIM = 128
OUT_DIM = 128


def setup_inputs(seed: int = 0) -> dict:
    key = jax.random.key(seed)
    k_x, k_e, k_w = jax.random.split(key, 3)
    x = jax.random.normal(k_x, (N_NODES, IN_DIM), dtype=jnp.float32)
    edge_index = jax.random.randint(k_e, (2, N_EDGES), 0, N_NODES, dtype=jnp.int64)
    init_range = np.sqrt(6.0 / (IN_DIM + OUT_DIM))
    W = jax.random.uniform(k_w, (IN_DIM, OUT_DIM), minval=-init_range, maxval=init_range, dtype=jnp.float32)
    return {"x": x, "edge_index": edge_index, "W": W}


def reference(x, edge_index, W):
    # x = tf.matmul(x, weights)
    h = jnp.matmul(x, W)
    # x = tf.sparse.sparse_dense_matmul(adj, h)
    # adj is an unweighted sparse matrix given by edge_index:
    #   row (dst) = edge_index[0], col (src) = edge_index[1], value = 1.0
    # out[i] = sum_{j : adj[i,j]=1} h[j]
    dst = edge_index[0]
    src = edge_index[1]
    msgs = jnp.take(h, src, axis=0)
    agg = jax.ops.segment_sum(msgs, dst, num_segments=N_NODES)
    # outputs = act(x) with act = relu
    return jax.nn.relu(agg)

if __name__ == "__main__":
    import jax
    _d = setup_inputs()
    print(jax.jit(kernel)(*tuple(_d.values())))

</pallas_src>

<mosaic_0001>
#map = affine_map<(d0, d1) -> (0, 0)>
#map1 = affine_map<(d0, d1) -> (0)>
#map2 = affine_map<(d0, d1) -> (0, 0, 0)>
module attributes {stable_mosaic.version = 14 : i64} {
  func.func @k(%arg0: i32, %arg1: i32, %arg2: memref<10000x128xf32, #tpu.memory_space<hbm>>, %arg3: memref<320000xi32, #tpu.memory_space<hbm>>, %arg4: memref<320000xi32, #tpu.memory_space<hbm>>, %arg5: memref<2x10240x128xf32, #tpu.memory_space<hbm>>, %arg6: memref<10240x128xf32, #tpu.memory_space<vmem_shared>>, %arg7: memref<80x128xf32, #tpu.memory_space<vmem>>, %arg8: memref<80x128xf32, #tpu.memory_space<vmem>>, %arg9: memref<80xi32, #tpu.memory_space<vmem>>, %arg10: memref<80xi32, #tpu.memory_space<vmem>>, %arg11: memref<80xi32, #tpu.memory_space<vmem>>, %arg12: memref<80xi32, #tpu.memory_space<vmem>>, %arg13: memref<80xi32, #tpu.memory_space<vmem>>, %arg14: memref<80xi32, #tpu.memory_space<vmem>>, %arg15: memref<80xi32, #tpu.memory_space<vmem>>, %arg16: memref<80xi32, #tpu.memory_space<vmem>>, %arg17: memref<80xi32, #tpu.memory_space<vmem>>, %arg18: memref<80xi32, #tpu.memory_space<vmem>>, %arg19: memref<!tpu.dma_semaphore, #tpu.memory_space<semaphore_mem>>, %arg20: memref<!tpu.dma_semaphore, #tpu.memory_space<semaphore_mem>>, %arg21: memref<!tpu.dma_semaphore, #tpu.memory_space<semaphore_mem>>, %arg22: memref<!tpu.dma_semaphore, #tpu.memory_space<semaphore_mem>>, %arg23: memref<!tpu.dma_semaphore, #tpu.memory_space<semaphore_mem>>, %arg24: memref<!tpu.dma_semaphore, #tpu.memory_space<semaphore_mem>>, %arg25: memref<!tpu.dma_semaphore, #tpu.memory_space<semaphore_mem>>, %arg26: memref<!tpu.dma_semaphore, #tpu.memory_space<semaphore_mem>>, %arg27: memref<!tpu.dma_semaphore, #tpu.memory_space<semaphore_mem>>, %arg28: memref<!tpu.dma_semaphore, #tpu.memory_space<semaphore_mem>>, %arg29: memref<!tpu.dma_semaphore, #tpu.memory_space<semaphore_mem>>, %arg30: memref<!tpu.dma_semaphore, #tpu.memory_space<semaphore_mem>>) attributes {dimension_semantics = [#tpu.dimension_semantics<core_parallel>, #tpu.dimension_semantics<subcore_parallel>], iteration_bounds = array<i64: 2, 16>, scalar_prefetch = 0 : i64, scratch_operands = 25 : i64, tpu.core_type = #tpu.core_type<sc_vector_subcore>, window_params = [{transform_indices = #map}, {transform_indices = #map1}, {transform_indices = #map1}, {transform_indices = #map2}]} {
    %mul3A = arith.constant 2 : i32
    %mul3A_0 = arith.muli %arg1, %mul3A : i32
    %add3A = arith.addi %mul3A_0, %arg0 : i32
    %mul3A_1 = arith.constant 125 : i32
    %mul3A_2 = arith.muli %add3A, %mul3A_1 : i32
    %mul3A_3 = arith.constant 80 : i32
    %mul3A_4 = arith.muli %mul3A_2, %mul3A_3 : i32
    %scan3A = arith.constant 0 : i32
    %scan3A_5 = arith.constant 0 : i32
    %scan3A_6 = arith.constant 80 : i32
    %scan3A_7 = arith.addi %scan3A_5, %scan3A_6 : i32
    %scan3A_8 = arith.constant 1 : i32
    scf.for %scan3A_257 = %scan3A_5 to %scan3A_7 step %scan3A_8  : i32 {
      %broadcast_in_dim3A = arith.constant 0.000000e+00 : f32
      %broadcast_in_dim3A_258 = vector.broadcast %broadcast_in_dim3A : f32 to vector<16xf32>
      %swap3A = arith.index_cast %scan3A_257 : i32 to index
      %swap3A_259 = arith.constant 0 : index
      %swap3A_260 = tpu.vector_load %arg7[%swap3A, %swap3A_259] {strides = array<i32>} : memref<80x128xf32, #tpu.memory_space<vmem>>, vector<1x16xf32>,
      %swap3A_261 = vector.shape_cast %swap3A_260 : vector<1x16xf32> to vector<16xf32>
      %swap3A_262 = vector.shape_cast %broadcast_in_dim3A_258 : vector<16xf32> to vector<1x16xf32>
      tpu.vector_store %arg7[%swap3A, %swap3A_259], %swap3A_262 {strides = array<i32>} : memref<80x128xf32, #tpu.memory_space<vmem>>, vector<1x16xf32>,
      %broadcast_in_dim3A_263 = arith.constant 0.000000e+00 : f32
      %broadcast_in_dim3A_264 = vector.broadcast %broadcast_in_dim3A_263 : f32 to vector<16xf32>
      %swap3A_265 = arith.index_cast %scan3A_257 : i32 to index
      %swap3A_266 = arith.constant 16 : index
      %swap3A_267 = tpu.vector_load %arg7[%swap3A_265, %swap3A_266] {strides = array<i32>} : memref<80x128xf32, #tpu.memory_space<vmem>>, vector<1x16xf32>,
      %swap3A_268 = vector.shape_cast %swap3A_267 : vector<1x16xf32> to vector<16xf32>
      %swap3A_269 = vector.shape_cast %broadcast_in_dim3A_264 : vector<16xf32> to vector<1x16xf32>
      tpu.vector_store %arg7[%swap3A_265, %swap3A_266], %swap3A_269 {strides = array<i32>} : memref<80x128xf32, #tpu.memory_space<vmem>>, vector<1x16xf32>,
      %broadcast_in_dim3A_270 = arith.constant 0.000000e+00 : f32
      %broadcast_in_dim3A_271 = vector.broadcast %broadcast_in_dim3A_270 : f32 to vector<16xf32>
      %swap3A_272 = arith.index_cast %scan3A_257 : i32 to index
      %swap3A_273 = arith.constant 32 : index
      %swap3A_274 = tpu.vector_load %arg7[%swap3A_272, %swap3A_273] {strides = array<i32>} : memref<80x128xf32, #tpu.memory_space<vmem>>, vector<1x16xf32>,
      %swap3A_275 = vector.shape_cast %swap3A_274 : vector<1x16xf32> to vector<16xf32>
      %swap3A_276 = vector.shape_cast %broadcast_in_dim3A_271 : vector<16xf32> to vector<1x16xf32>
      tpu.vector_store %arg7[%swap3A_272, %swap3A_273], %swap3A_276 {strides = array<i32>} : memref<80x128xf32, #tpu.memory_space<vmem>>, vector<1x16xf32>,
      %broadcast_in_dim3A_277 = arith.constant 0.000000e+00 : f32
      %broadcast_in_dim3A_278 = vector.broadcast %broadcast_in_dim3A_277 : f32 to vector<16xf32>
      %swap3A_279 = arith.index_cast %scan3A_257 : i32 to index
      %swap3A_280 = arith.constant 48 : index
      %swap3A_281 = tpu.vector_load %arg7[%swap3A_279, %swap3A_280] {strides = array<i32>} : memref<80x128xf32, #tpu.memory_space<vmem>>, vector<1x16xf32>,
      %swap3A_282 = vector.shape_cast %swap3A_281 : vector<1x16xf32> to vector<16xf32>
      %swap3A_283 = vector.shape_cast %broadcast_in_dim3A_278 : vector<16xf32> to vector<1x16xf32>
      tpu.vector_store %arg7[%swap3A_279, %swap3A_280], %swap3A_283 {strides = array<i32>} : memref<80x128xf32, #tpu.memory_space<vmem>>, vector<1x16xf32>,
      %broadcast_in_dim3A_284 = arith.constant 0.000000e+00 : f32
      %broadcast_in_dim3A_285 = vector.broadcast %broadcast_in_dim3A_284 : f32 to vector<16xf32>
      %swap3A_286 = arith.index_cast %scan3A_257 : i32 to index
      %swap3A_287 = arith.constant 64 : index
      %swap3A_288 = tpu.vector_load %arg7[%swap3A_286, %swap3A_287] {strides = array<i32>} : memref<80x128xf32, #tpu.memory_space<vmem>>, vector<1x16xf32>,
      %swap3A_289 = vector.shape_cast %swap3A_288 : vector<1x16xf32> to vector<16xf32>
      %swap3A_290 = vector.shape_cast %broadcast_in_dim3A_285 : vector<16xf32> to vector<1x16xf32>
      tpu.vector_store %arg7[%swap3A_286, %swap3A_287], %swap3A_290 {strides = array<i32>} : memref<80x128xf32, #tpu.memory_space<vmem>>, vector<1x16xf32>,
      %broadcast_in_dim3A_291 = arith.constant 0.000000e+00 : f32
      %broadcast_in_dim3A_292 = vector.broadcast %broadcast_in_dim3A_291 : f32 to vector<16xf32>
      %swap3A_293 = arith.index_cast %scan3A_257 : i32 to index
      %swap3A_294 = arith.constant 80 : index
      %swap3A_295 = tpu.vector_load %arg7[%swap3A_293, %swap3A_294] {strides = array<i32>} : memref<80x128xf32, #tpu.memory_space<vmem>>, vector<1x16xf32>,
      %swap3A_296 = vector.shape_cast %swap3A_295 : vector<1x16xf32> to vector<16xf32>
      %swap3A_297 = vector.shape_cast %broadcast_in_dim3A_292 : vector<16xf32> to vector<1x16xf32>
      tpu.vector_store %arg7[%swap3A_293, %swap3A_294], %swap3A_297 {strides = array<i32>} : memref<80x128xf32, #tpu.memory_space<vmem>>, vector<1x16xf32>,
      %broadcast_in_dim3A_298 = arith.constant 0.000000e+00 : f32
      %broadcast_in_dim3A_299 = vector.broadcast %broadcast_in_dim3A_298 : f32 to vector<16xf32>
      %swap3A_300 = arith.index_cast %scan3A_257 : i32 to index
      %swap3A_301 = arith.constant 96 : index
      %swap3A_302 = tpu.vector_load %arg7[%swap3A_300, %swap3A_301] {strides = array<i32>} : memref<80x128xf32, #tpu.memory_space<vmem>>, vector<1x16xf32>,
      %swap3A_303 = vector.shape_cast %swap3A_302 : vector<1x16xf32> to vector<16xf32>
      %swap3A_304 = vector.shape_cast %broadcast_in_dim3A_299 : vector<16xf32> to vector<1x16xf32>
      tpu.vector_store %arg7[%swap3A_300, %swap3A_301], %swap3A_304 {strides = array<i32>} : memref<80x128xf32, #tpu.memory_space<vmem>>, vector<1x16xf32>,
      %broadcast_in_dim3A_305 = arith.constant 0.000000e+00 : f32
      %broadcast_in_dim3A_306 = vector.broadcast %broadcast_in_dim3A_305 : f32 to vector<16xf32>
      %swap3A_307 = arith.index_cast %scan3A_257 : i32 to index
      %swap3A_308 = arith.constant 112 : index
      %swap3A_309 = tpu.vector_load %arg7[%swap3A_307, %swap3A_308] {strides = array<i32>} : memref<80x128xf32, #tpu.memory_space<vmem>>, vector<1x16xf32>,
      %swap3A_310 = vector.shape_cast %swap3A_309 : vector<1x16xf32> to vector<16xf32>
      %swap3A_311 = vector.shape_cast %broadcast_in_dim3A_306 : vector<16xf32> to vector<1x16xf32>
      tpu.vector_store %arg7[%swap3A_307, %swap3A_308], %swap3A_311 {strides = array<i32>} : memref<80x128xf32, #tpu.memory_space<vmem>>, vector<1x16xf32>,
    }
    %scan3A_9 = arith.constant 80 : i32
    %mul3A_10 = arith.constant 640 : i32
    %mul3A_11 = arith.muli %arg1, %mul3A_10 : i32
    %add3A_12 = arith.constant 0 : i32
    %add3A_13 = arith.addi %mul3A_11, %add3A_12 : i32
    %dma_start3A = arith.constant 0 : i32
    %dma_start3A_14 = tpu.memref_slice %arg6[%add3A_13, %dma_start3A] : memref<10240x128xf32, #tpu.memory_space<vmem_shared>> -> memref<80x128xf32, #tpu.memory_space<vmem_shared>>
    %dma_start3A_15 = arith.constant 0 : i32
    %dma_start3A_16 = tpu.memref_slice %arg6[%add3A_13, %dma_start3A_15] : memref<10240x128xf32, #tpu.memory_space<vmem_shared>> -> memref<80x128xf32, #tpu.memory_space<vmem_shared>>
    tpu.enqueue_dma source(%arg7 : memref<80x128xf32, #tpu.memory_space<vmem>>) target(%dma_start3A_16 : memref<80x128xf32, #tpu.memory_space<vmem_shared>>) target_semaphore(%arg19 : memref<!tpu.dma_semaphore, #tpu.memory_space<semaphore_mem>>)
    %add3A_17 = arith.constant 80 : i32
    %add3A_18 = arith.addi %mul3A_11, %add3A_17 : i32
    %dma_start3A_19 = arith.constant 0 : i32
    %dma_start3A_20 = tpu.memref_slice %arg6[%add3A_18, %dma_start3A_19] : memref<10240x128xf32, #tpu.memory_space<vmem_shared>> -> memref<80x128xf32, #tpu.memory_space<vmem_shared>>
    %dma_start3A_21 = arith.constant 0 : i32
    %dma_start3A_22 = tpu.memref_slice %arg6[%add3A_18, %dma_start3A_21] : memref<10240x128xf32, #tpu.memory_space<vmem_shared>> -> memref<80x128xf32, #tpu.memory_space<vmem_shared>>
    tpu.enqueue_dma source(%arg7 : memref<80x128xf32, #tpu.memory_space<vmem>>) target(%dma_start3A_22 : memref<80x128xf32, #tpu.memory_space<vmem_shared>>) target_semaphore(%arg19 : memref<!tpu.dma_semaphore, #tpu.memory_space<semaphore_mem>>)
    %add3A_23 = arith.constant 160 : i32
    %add3A_24 = arith.addi %mul3A_11, %add3A_23 : i32
    %dma_start3A_25 = arith.constant 0 : i32
    %dma_start3A_26 = tpu.memref_slice %arg6[%add3A_24, %dma_start3A_25] : memref<10240x128xf32, #tpu.memory_space<vmem_shared>> -> memref<80x128xf32, #tpu.memory_space<vmem_shared>>
    %dma_start3A_27 = arith.constant 0 : i32
    %dma_start3A_28 = tpu.memref_slice %arg6[%add3A_24, %dma_start3A_27] : memref<10240x128xf32, #tpu.memory_space<vmem_shared>> -> memref<80x128xf32, #tpu.memory_space<vmem_shared>>
    tpu.enqueue_dma source(%arg7 : memref<80x128xf32, #tpu.memory_space<vmem>>) target(%dma_start3A_28 : memref<80x128xf32, #tpu.memory_space<vmem_shared>>) target_semaphore(%arg19 : memref<!tpu.dma_semaphore, #tpu.memory_space<semaphore_mem>>)
    %add3A_29 = arith.constant 240 : i32
    %add3A_30 = arith.addi %mul3A_11, %add3A_29 : i32
    %dma_start3A_31 = arith.constant 0 : i32
    %dma_start3A_32 = tpu.memref_slice %arg6[%add3A_30, %dma_start3A_31] : memref<10240x128xf32, #tpu.memory_space<vmem_shared>> -> memref<80x128xf32, #tpu.memory_space<vmem_shared>>
    %dma_start3A_33 = arith.constant 0 : i32
    %dma_start3A_34 = tpu.memref_slice %arg6[%add3A_30, %dma_start3A_33] : memref<10240x128xf32, #tpu.memory_space<vmem_shared>> -> memref<80x128xf32, #tpu.memory_space<vmem_shared>>
    tpu.enqueue_dma source(%arg7 : memref<80x128xf32, #tpu.memory_space<vmem>>) target(%dma_start3A_34 : memref<80x128xf32, #tpu.memory_space<vmem_shared>>) target_semaphore(%arg19 : memref<!tpu.dma_semaphore, #tpu.memory_space<semaphore_mem>>)
    %add3A_35 = arith.constant 320 : i32
    %add3A_36 = arith.addi %mul3A_11, %add3A_35 : i32
    %dma_start3A_37 = arith.constant 0 : i32
    %dma_start3A_38 = tpu.memref_slice %arg6[%add3A_36, %dma_start3A_37] : memref<10240x128xf32, #tpu.memory_space<vmem_shared>> -> memref<80x128xf32, #tpu.memory_space<vmem_shared>>
    %dma_start3A_39 = arith.constant 0 : i32
    %dma_start3A_40 = tpu.memref_slice %arg6[%add3A_36, %dma_start3A_39] : memref<10240x128xf32, #tpu.memory_space<vmem_shared>> -> memref<80x128xf32, #tpu.memory_space<vmem_shared>>
    tpu.enqueue_dma source(%arg7 : memref<80x128xf32, #tpu.memory_space<vmem>>) target(%dma_start3A_40 : memref<80x128xf32, #tpu.memory_space<vmem_shared>>) target_semaphore(%arg19 : memref<!tpu.dma_semaphore, #tpu.memory_space<semaphore_mem>>)
    %add3A_41 = arith.constant 400 : i32
    %add3A_42 = arith.addi %mul3A_11, %add3A_41 : i32
    %dma_start3A_43 = arith.constant 0 : i32
    %dma_start3A_44 = tpu.memref_slice %arg6[%add3A_42, %dma_start3A_43] : memref<10240x128xf32, #tpu.memory_space<vmem_shared>> -> memref<80x128xf32, #tpu.memory_space<vmem_shared>>
    %dma_start3A_45 = arith.constant 0 : i32
    %dma_start3A_46 = tpu.memref_slice %arg6[%add3A_42, %dma_start3A_45] : memref<10240x128xf32, #tpu.memory_space<vmem_shared>> -> memref<80x128xf32, #tpu.memory_space<vmem_shared>>
    tpu.enqueue_dma source(%arg7 : memref<80x128xf32, #tpu.memory_space<vmem>>) target(%dma_start3A_46 : memref<80x128xf32, #tpu.memory_space<vmem_shared>>) target_semaphore(%arg19 : memref<!tpu.dma_semaphore, #tpu.memory_space<semaphore_mem>>)
    %add3A_47 = arith.constant 480 : i32
    %add3A_48 = arith.addi %mul3A_11, %add3A_47 : i32
    %dma_start3A_49 = arith.constant 0 : i32
    %dma_start3A_50 = tpu.memref_slice %arg6[%add3A_48, %dma_start3A_49] : memref<10240x128xf32, #tpu.memory_space<vmem_shared>> -> memref<80x128xf32, #tpu.memory_space<vmem_shared>>
    %dma_start3A_51 = arith.constant 0 : i32
    %dma_start3A_52 = tpu.memref_slice %arg6[%add3A_48, %dma_start3A_51] : memref<10240x128xf32, #tpu.memory_space<vmem_shared>> -> memref<80x128xf32, #tpu.memory_space<vmem_shared>>
    tpu.enqueue_dma source(%arg7 : memref<80x128xf32, #tpu.memory_space<vmem>>) target(%dma_start3A_52 : memref<80x128xf32, #tpu.memory_space<vmem_shared>>) target_semaphore(%arg19 : memref<!tpu.dma_semaphore, #tpu.memory_space<semaphore_mem>>)
    %add3A_53 = arith.constant 560 : i32
    %add3A_54 = arith.addi %mul3A_11, %add3A_53 : i32
    %dma_start3A_55 = arith.constant 0 : i32
    %dma_start3A_56 = tpu.memref_slice %arg6[%add3A_54, %dma_start3A_55] : memref<10240x128xf32, #tpu.memory_space<vmem_shared>> -> memref<80x128xf32, #tpu.memory_space<vmem_shared>>
    %dma_start3A_57 = arith.constant 0 : i32
    %dma_start3A_58 = tpu.memref_slice %arg6[%add3A_54, %dma_start3A_57] : memref<10240x128xf32, #tpu.memory_space<vmem_shared>> -> memref<80x128xf32, #tpu.memory_space<vmem_shared>>
    tpu.enqueue_dma source(%arg7 : memref<80x128xf32, #tpu.memory_space<vmem>>) target(%dma_start3A_58 : memref<80x128xf32, #tpu.memory_space<vmem_shared>>) target_semaphore(%arg19 : memref<!tpu.dma_semaphore, #tpu.memory_space<semaphore_mem>>)
    %dma_wait3A = arith.constant 0 : i32
    %dma_wait3A_59 = tpu.memref_slice %arg6[%add3A_13, %dma_wait3A] : memref<10240x128xf32, #tpu.memory_space<vmem_shared>> -> memref<80x128xf32, #tpu.memory_space<vmem_shared>>
    %dma_wait3A_60 = arith.constant 0 : i32
    %dma_wait3A_61 = tpu.memref_slice %arg6[%add3A_13, %dma_wait3A_60] : memref<10240x128xf32, #tpu.memory_space<vmem_shared>> -> memref<80x128xf32, #tpu.memory_space<vmem_shared>>
    tpu.wait_dma2 semaphore(%arg19 : memref<!tpu.dma_semaphore, #tpu.memory_space<semaphore_mem>>) src(%arg7 : memref<80x128xf32, #tpu.memory_space<vmem>>) dst(%dma_wait3A_61 : memref<80x128xf32, #tpu.memory_space<vmem_shared>>)
    %dma_wait3A_62 = arith.constant 0 : i32
    %dma_wait3A_63 = tpu.memref_slice %arg6[%add3A_18, %dma_wait3A_62] : memref<10240x128xf32, #tpu.memory_space<vmem_shared>> -> memref<80x128xf32, #tpu.memory_space<vmem_shared>>
    %dma_wait3A_64 = arith.constant 0 : i32
    %dma_wait3A_65 = tpu.memref_slice %arg6[%add3A_18, %dma_wait3A_64] : memref<10240x128xf32, #tpu.memory_space<vmem_shared>> -> memref<80x128xf32, #tpu.memory_space<vmem_shared>>
    tpu.wait_dma2 semaphore(%arg19 : memref<!tpu.dma_semaphore, #tpu.memory_space<semaphore_mem>>) src(%arg7 : memref<80x128xf32, #tpu.memory_space<vmem>>) dst(%dma_wait3A_65 : memref<80x128xf32, #tpu.memory_space<vmem_shared>>)
    %dma_wait3A_66 = arith.constant 0 : i32
    %dma_wait3A_67 = tpu.memref_slice %arg6[%add3A_24, %dma_wait3A_66] : memref<10240x128xf32, #tpu.memory_space<vmem_shared>> -> memref<80x128xf32, #tpu.memory_space<vmem_shared>>
    %dma_wait3A_68 = arith.constant 0 : i32
    %dma_wait3A_69 = tpu.memref_slice %arg6[%add3A_24, %dma_wait3A_68] : memref<10240x128xf32, #tpu.memory_space<vmem_shared>> -> memref<80x128xf32, #tpu.memory_space<vmem_shared>>
    tpu.wait_dma2 semaphore(%arg19 : memref<!tpu.dma_semaphore, #tpu.memory_space<semaphore_mem>>) src(%arg7 : memref<80x128xf32, #tpu.memory_space<vmem>>) dst(%dma_wait3A_69 : memref<80x128xf32, #tpu.memory_space<vmem_shared>>)
    %dma_wait3A_70 = arith.constant 0 : i32
    %dma_wait3A_71 = tpu.memref_slice %arg6[%add3A_30, %dma_wait3A_70] : memref<10240x128xf32, #tpu.memory_space<vmem_shared>> -> memref<80x128xf32, #tpu.memory_space<vmem_shared>>
    %dma_wait3A_72 = arith.constant 0 : i32
    %dma_wait3A_73 = tpu.memref_slice %arg6[%add3A_30, %dma_wait3A_72] : memref<10240x128xf32, #tpu.memory_space<vmem_shared>> -> memref<80x128xf32, #tpu.memory_space<vmem_shared>>
    tpu.wait_dma2 semaphore(%arg19 : memref<!tpu.dma_semaphore, #tpu.memory_space<semaphore_mem>>) src(%arg7 : memref<80x128xf32, #tpu.memory_space<vmem>>) dst(%dma_wait3A_73 : memref<80x128xf32, #tpu.memory_space<vmem_shared>>)
    %dma_wait3A_74 = arith.constant 0 : i32
    %dma_wait3A_75 = tpu.memref_slice %arg6[%add3A_36, %dma_wait3A_74] : memref<10240x128xf32, #tpu.memory_space<vmem_shared>> -> memref<80x128xf32, #tpu.memory_space<vmem_shared>>
    %dma_wait3A_76 = arith.constant 0 : i32
    %dma_wait3A_77 = tpu.memref_slice %arg6[%add3A_36, %dma_wait3A_76] : memref<10240x128xf32, #tpu.memory_space<vmem_shared>> -> memref<80x128xf32, #tpu.memory_space<vmem_shared>>
    tpu.wait_dma2 semaphore(%arg19 : memref<!tpu.dma_semaphore, #tpu.memory_space<semaphore_mem>>) src(%arg7 : memref<80x128xf32, #tpu.memory_space<vmem>>) dst(%dma_wait3A_77 : memref<80x128xf32, #tpu.memory_space<vmem_shared>>)
    %dma_wait3A_78 = arith.constant 0 : i32
    %dma_wait3A_79 = tpu.memref_slice %arg6[%add3A_42, %dma_wait3A_78] : memref<10240x128xf32, #tpu.memory_space<vmem_shared>> -> memref<80x128xf32, #tpu.memory_space<vmem_shared>>
    %dma_wait3A_80 = arith.constant 0 : i32
    %dma_wait3A_81 = tpu.memref_slice %arg6[%add3A_42, %dma_wait3A_80] : memref<10240x128xf32, #tpu.memory_space<vmem_shared>> -> memref<80x128xf32, #tpu.memory_space<vmem_shared>>
    tpu.wait_dma2 semaphore(%arg19 : memref<!tpu.dma_semaphore, #tpu.memory_space<semaphore_mem>>) src(%arg7 : memref<80x128xf32, #tpu.memory_space<vmem>>) dst(%dma_wait3A_81 : memref<80x128xf32, #tpu.memory_space<vmem_shared>>)
    %dma_wait3A_82 = arith.constant 0 : i32
    %dma_wait3A_83 = tpu.memref_slice %arg6[%add3A_48, %dma_wait3A_82] : memref<10240x128xf32, #tpu.memory_space<vmem_shared>> -> memref<80x128xf32, #tpu.memory_space<vmem_shared>>
    %dma_wait3A_84 = arith.constant 0 : i32
    %dma_wait3A_85 = tpu.memref_slice %arg6[%add3A_48, %dma_wait3A_84] : memref<10240x128xf32, #tpu.memory_space<vmem_shared>> -> memref<80x128xf32, #tpu.memory_space<vmem_shared>>
    tpu.wait_dma2 semaphore(%arg19 : memref<!tpu.dma_semaphore, #tpu.memory_space<semaphore_mem>>) src(%arg7 : memref<80x128xf32, #tpu.memory_space<vmem>>) dst(%dma_wait3A_85 : memref<80x128xf32, #tpu.memory_space<vmem_shared>>)
    %dma_wait3A_86 = arith.constant 0 : i32
    %dma_wait3A_87 = tpu.memref_slice %arg6[%add3A_54, %dma_wait3A_86] : memref<10240x128xf32, #tpu.memory_space<vmem_shared>> -> memref<80x128xf32, #tpu.memory_space<vmem_shared>>
    %dma_wait3A_88 = arith.constant 0 : i32
    %dma_wait3A_89 = tpu.memref_slice %arg6[%add3A_54, %dma_wait3A_88] : memref<10240x128xf32, #tpu.memory_space<vmem_shared>> -> memref<80x128xf32, #tpu.memory_space<vmem_shared>>
    tpu.wait_dma2 semaphore(%arg19 : memref<!tpu.dma_semaphore, #tpu.memory_space<semaphore_mem>>) src(%arg7 : memref<80x128xf32, #tpu.memory_space<vmem>>) dst(%dma_wait3A_89 : memref<80x128xf32, #tpu.memory_space<vmem_shared>>)
    %barrier3A = arith.constant 0 : index
    tpu.barrier barrier_id(%barrier3A)
    %scan3A_90 = arith.constant 0 : i32
    %scan3A_91 = arith.constant 0 : i32
    %scan3A_92 = arith.constant 25 : i32
    %scan3A_93 = arith.addi %scan3A_91, %scan3A_92 : i32
    %scan3A_94 = arith.constant 1 : i32
    scf.for %scan3A_257 = %scan3A_91 to %scan3A_93 step %scan3A_94  : i32 {
      %mul3A_258 = arith.constant 5 : i32
      %mul3A_259 = arith.muli %mul3A_258, %scan3A_257 : i32
      %add3A_260 = arith.constant 0 : i32
      %add3A_261 = arith.addi %mul3A_259, %add3A_260 : i32
      %mul3A_262 = arith.constant 80 : i32
      %mul3A_263 = arith.muli %add3A_261, %mul3A_262 : i32
      %add3A_264 = arith.addi %mul3A_4, %mul3A_263 : i32
      %dma_start3A_265 = tpu.memref_slice %arg3[%add3A_264] : memref<320000xi32, #tpu.memory_space<hbm>> -> memref<80xi32, #tpu.memory_space<hbm>>
      %dma_start3A_266 = tpu.memref_slice %arg3[%add3A_264] : memref<320000xi32, #tpu.memory_space<hbm>> -> memref<80xi32, #tpu.memory_space<hbm>>
      tpu.enqueue_dma source(%dma_start3A_266 : memref<80xi32, #tpu.memory_space<hbm>>) target(%arg9 : memref<80xi32, #tpu.memory_space<vmem>>) target_semaphore(%arg21 : memref<!tpu.dma_semaphore, #tpu.memory_space<semaphore_mem>>)
      %add3A_267 = arith.constant 1 : i32
      %add3A_268 = arith.addi %mul3A_259, %add3A_267 : i32
      %mul3A_269 = arith.constant 80 : i32
      %mul3A_270 = arith.muli %add3A_268, %mul3A_269 : i32
      %add3A_271 = arith.addi %mul3A_4, %mul3A_270 : i32
      %dma_start3A_272 = tpu.memref_slice %arg3[%add3A_271] : memref<320000xi32, #tpu.memory_space<hbm>> -> memref<80xi32, #tpu.memory_space<hbm>>
      %dma_start3A_273 = tpu.memref_slice %arg3[%add3A_271] : memref<320000xi32, #tpu.memory_space<hbm>> -> memref<80xi32, #tpu.memory_space<hbm>>
      tpu.enqueue_dma source(%dma_start3A_273 : memref<80xi32, #tpu.memory_space<hbm>>) target(%arg10 : memref<80xi32, #tpu.memory_space<vmem>>) target_semaphore(%arg22 : memref<!tpu.dma_semaphore, #tpu.memory_space<semaphore_mem>>)
      %add3A_274 = arith.constant 2 : i32
      %add3A_275 = arith.addi %mul3A_259, %add3A_274 : i32
      %mul3A_276 = arith.constant 80 : i32
      %mul3A_277 = arith.muli %add3A_275, %mul3A_276 : i32
      %add3A_278 = arith.addi %mul3A_4, %mul3A_277 : i32
      %dma_start3A_279 = tpu.memref_slice %arg3[%add3A_278] : memref<320000xi32, #tpu.memory_space<hbm>> -> memref<80xi32, #tpu.memory_space<hbm>>
      %dma_start3A_280 = tpu.memref_slice %arg3[%add3A_278] : memref<320000xi32, #tpu.memory_space<hbm>> -> memref<80xi32, #tpu.memory_space<hbm>>
      tpu.enqueue_dma source(%dma_start3A_280 : memref<80xi32, #tpu.memory_space<hbm>>) target(%arg11 : memref<80xi32, #tpu.memory_space<vmem>>) target_semaphore(%arg23 : memref<!tpu.dma_semaphore, #tpu.memory_space<semaphore_mem>>)
      %add3A_281 = arith.constant 3 : i32
      %add3A_282 = arith.addi %mul3A_259, %add3A_281 : i32
      %mul3A_283 = arith.constant 80 : i32
      %mul3A_284 = arith.muli %add3A_282, %mul3A_283 : i32
      %add3A_285 = arith.addi %mul3A_4, %mul3A_284 : i32
      %dma_start3A_286 = tpu.memref_slice %arg3[%add3A_285] : memref<320000xi32, #tpu.memory_space<hbm>> -> memref<80xi32, #tpu.memory_space<hbm>>
      %dma_start3A_287 = tpu.memref_slice %arg3[%add3A_285] : memref<320000xi32, #tpu.memory_space<hbm>> -> memref<80xi32, #tpu.memory_space<hbm>>
      tpu.enqueue_dma source(%dma_start3A_287 : memref<80xi32, #tpu.memory_space<hbm>>) target(%arg12 : memref<80xi32, #tpu.memory_space<vmem>>) target_semaphore(%arg24 : memref<!tpu.dma_semaphore, #tpu.memory_space<semaphore_mem>>)
      %add3A_288 = arith.constant 4 : i32
      %add3A_289 = arith.addi %mul3A_259, %add3A_288 : i32
      %mul3A_290 = arith.constant 80 : i32
      %mul3A_291 = arith.muli %add3A_289, %mul3A_290 : i32
      %add3A_292 = arith.addi %mul3A_4, %mul3A_291 : i32
      %dma_start3A_293 = tpu.memref_slice %arg3[%add3A_292] : memref<320000xi32, #tpu.memory_space<hbm>> -> memref<80xi32, #tpu.memory_space<hbm>>
      %dma_start3A_294 = tpu.memref_slice %arg3[%add3A_292] : memref<320000xi32, #tpu.memory_space<hbm>> -> memref<80xi32, #tpu.memory_space<hbm>>
      tpu.enqueue_dma source(%dma_start3A_294 : memref<80xi32, #tpu.memory_space<hbm>>) target(%arg13 : memref<80xi32, #tpu.memory_space<vmem>>) target_semaphore(%arg25 : memref<!tpu.dma_semaphore, #tpu.memory_space<semaphore_mem>>)
      %add3A_295 = arith.constant 0 : i32
      %add3A_296 = arith.addi %mul3A_259, %add3A_295 : i32
      %mul3A_297 = arith.constant 80 : i32
      %mul3A_298 = arith.muli %add3A_296, %mul3A_297 : i32
      %add3A_299 = arith.addi %mul3A_4, %mul3A_298 : i32
      %dma_start3A_300 = tpu.memref_slice %arg4[%add3A_299] : memref<320000xi32, #tpu.memory_space<hbm>> -> memref<80xi32, #tpu.memory_space<hbm>>
      %dma_start3A_301 = tpu.memref_slice %arg4[%add3A_299] : memref<320000xi32, #tpu.memory_space<hbm>> -> memref<80xi32, #tpu.memory_space<hbm>>
      tpu.enqueue_dma source(%dma_start3A_301 : memref<80xi32, #tpu.memory_space<hbm>>) target(%arg14 : memref<80xi32, #tpu.memory_space<vmem>>) target_semaphore(%arg26 : memref<!tpu.dma_semaphore, #tpu.memory_space<semaphore_mem>>)
      %add3A_302 = arith.constant 1 : i32
      %add3A_303 = arith.addi %mul3A_259, %add3A_302 : i32
      %mul3A_304 = arith.constant 80 : i32
      %mul3A_305 = arith.muli %add3A_303, %mul3A_304 : i32
      %add3A_306 = arith.addi %mul3A_4, %mul3A_305 : i32
      %dma_start3A_307 = tpu.memref_slice %arg4[%add3A_306] : memref<320000xi32, #tpu.memory_space<hbm>> -> memref<80xi32, #tpu.memory_space<hbm>>
      %dma_start3A_308 = tpu.memref_slice %arg4[%add3A_306] : memref<320000xi32, #tpu.memory_space<hbm>> -> memref<80xi32, #tpu.memory_space<hbm>>
      tpu.enqueue_dma source(%dma_start3A_308 : memref<80xi32, #tpu.memory_space<hbm>>) target(%arg15 : memref<80xi32, #tpu.memory_space<vmem>>) target_semaphore(%arg27 : memref<!tpu.dma_semaphore, #tpu.memory_space<semaphore_mem>>)
      %add3A_309 = arith.constant 2 : i32
      %add3A_310 = arith.addi %mul3A_259, %add3A_309 : i32
      %mul3A_311 = arith.constant 80 : i32
      %mul3A_312 = arith.muli %add3A_310, %mul3A_311 : i32
      %add3A_313 = arith.addi %mul3A_4, %mul3A_312 : i32
      %dma_start3A_314 = tpu.memref_slice %arg4[%add3A_313] : memref<320000xi32, #tpu.memory_space<hbm>> -> memref<80xi32, #tpu.memory_space<hbm>>
      %dma_start3A_315 = tpu.memref_slice %arg4[%add3A_313] : memref<320000xi32, #tpu.memory_space<hbm>> -> memref<80xi32, #tpu.memory_space<hbm>>
      tpu.enqueue_dma source(%dma_start3A_315 : memref<80xi32, #tpu.memory_space<hbm>>) target(%arg16 : memref<80xi32, #tpu.memory_space<vmem>>) target_semaphore(%arg28 : memref<!tpu.dma_semaphore, #tpu.memory_space<semaphore_mem>>)
      %add3A_316 = arith.constant 3 : i32
      %add3A_317 = arith.addi %mul3A_259, %add3A_316 : i32
      %mul3A_318 = arith.constant 80 : i32
      %mul3A_319 = arith.muli %add3A_317, %mul3A_318 : i32
      %add3A_320 = arith.addi %mul3A_4, %mul3A_319 : i32
      %dma_start3A_321 = tpu.memref_slice %arg4[%add3A_320] : memref<320000xi32, #tpu.memory_space<hbm>> -> memref<80xi32, #tpu.memory_space<hbm>>
      %dma_start3A_322 = tpu.memref_slice %arg4[%add3A_320] : memref<320000xi32, #tpu.memory_space<hbm>> -> memref<80xi32, #tpu.memory_space<hbm>>
      tpu.enqueue_dma source(%dma_start3A_322 : memref<80xi32, #tpu.memory_space<hbm>>) target(%arg17 : memref<80xi32, #tpu.memory_space<vmem>>) target_semaphore(%arg29 : memref<!tpu.dma_semaphore, #tpu.memory_space<semaphore_mem>>)
      %add3A_323 = arith.constant 4 : i32
      %add3A_324 = arith.addi %mul3A_259, %add3A_323 : i32
      %mul3A_325 = arith.constant 80 : i32
      %mul3A_326 = arith.muli %add3A_324, %mul3A_325 : i32
      %add3A_327 = arith.addi %mul3A_4, %mul3A_326 : i32
      %dma_start3A_328 = tpu.memref_slice %arg4[%add3A_327] : memref<320000xi32, #tpu.memory_space<hbm>> -> memref<80xi32, #tpu.memory_space<hbm>>
      %dma_start3A_329 = tpu.memref_slice %arg4[%add3A_327] : memref<320000xi32, #tpu.memory_space<hbm>> -> memref<80xi32, #tpu.memory_space<hbm>>
      tpu.enqueue_dma source(%dma_start3A_329 : memref<80xi32, #tpu.memory_space<hbm>>) target(%arg18 : memref<80xi32, #tpu.memory_space<vmem>>) target_semaphore(%arg30 : memref<!tpu.dma_semaphore, #tpu.memory_space<semaphore_mem>>)
      %dma_wait3A_330 = tpu.memref_slice %arg3[%add3A_264] : memref<320000xi32, #tpu.memory_space<hbm>> -> memref<80xi32, #tpu.memory_space<hbm>>
      %dma_wait3A_331 = tpu.memref_slice %arg3[%add3A_264] : memref<320000xi32, #tpu.memory_space<hbm>> -> memref<80xi32, #tpu.memory_space<hbm>>
      tpu.wait_dma2 semaphore(%arg21 : memref<!tpu.dma_semaphore, #tpu.memory_space<semaphore_mem>>) src(%dma_wait3A_331 : memref<80xi32, #tpu.memory_space<hbm>>) dst(%arg9 : memref<80xi32, #tpu.memory_space<vmem>>)
      %dma_start3A_332 = arith.constant 0 : i32
      %dma_start3A_333 = arith.constant 0 : i32
      %dma_start3A_334 = tpu.memref_slice %arg2[%dma_start3A_332, %dma_start3A_333] : memref<10000x128xf32, #tpu.memory_space<hbm>> -> memref<10000x128xf32, #tpu.memory_space<hbm>>
      tpu.enqueue_indirect_dma source(%dma_start3A_334 : memref<10000x128xf32, #tpu.memory_space<hbm>>) target(%arg7 : memref<80x128xf32, #tpu.memory_space<vmem>>) offsets(%arg9 : memref<80xi32, #tpu.memory_space<vmem>>) semaphore(%arg19 : memref<!tpu.dma_semaphore, #tpu.memory_space<semaphore_mem>>)
      %dma_wait3A_335 = arith.constant 0 : i32
      %dma_wait3A_336 = arith.constant 0 : i32
      %dma_wait3A_337 = tpu.memref_slice %arg2[%dma_wait3A_335, %dma_wait3A_336] : memref<10000x128xf32, #tpu.memory_space<hbm>> -> memref<10000x128xf32, #tpu.memory_space<hbm>>
      tpu.wait_indirect_dma semaphore(%arg19 : memref<!tpu.dma_semaphore, #tpu.memory_space<semaphore_mem>>) src(%dma_wait3A_337 : memref<10000x128xf32, #tpu.memory_space<hbm>>) dst(%arg7 : memref<80x128xf32, #tpu.memory_space<vmem>>)
      %dma_wait3A_338 = tpu.memref_slice %arg4[%add3A_299] : memref<320000xi32, #tpu.memory_space<hbm>> -> memref<80xi32, #tpu.memory_space<hbm>>
      %dma_wait3A_339 = tpu.memref_slice %arg4[%add3A_299] : memref<320000xi32, #tpu.memory_space<hbm>> -> memref<80xi32, #tpu.memory_space<hbm>>
      tpu.wait_dma2 semaphore(%arg26 : memref<!tpu.dma_semaphore, #tpu.memory_space<semaphore_mem>>) src(%dma_wait3A_339 : memref<80xi32, #tpu.memory_space<hbm>>) dst(%arg14 : memref<80xi32, #tpu.memory_space<vmem>>)
      %dma_start3A_340 = arith.constant 0 : i32
      %dma_start3A_341 = arith.constant 0 : i32
      %dma_start3A_342 = tpu.memref_slice %arg6[%dma_start3A_340, %dma_start3A_341] : memref<10240x128xf32, #tpu.memory_space<vmem_shared>> -> memref<10240x128xf32, #tpu.memory_space<vmem_shared>>
      tpu.enqueue_indirect_dma source(%arg7 : memref<80x128xf32, #tpu.memory_space<vmem>>) target(%dma_start3A_342 : memref<10240x128xf32, #tpu.memory_space<vmem_shared>>) offsets(%arg14 : memref<80xi32, #tpu.memory_space<vmem>>) semaphore(%arg20 : memref<!tpu.dma_semaphore, #tpu.memory_space<semaphore_mem>>) {add = true}
      %dma_wait3A_343 = tpu.memref_slice %arg3[%add3A_271] : memref<320000xi32, #tpu.memory_space<hbm>> -> memref<80xi32, #tpu.memory_space<hbm>>
      %dma_wait3A_344 = tpu.memref_slice %arg3[%add3A_271] : memref<320000xi32, #tpu.memory_space<hbm>> -> memref<80xi32, #tpu.memory_space<hbm>>
      tpu.wait_dma2 semaphore(%arg22 : memref<!tpu.dma_semaphore, #tpu.memory_space<semaphore_mem>>) src(%dma_wait3A_344 : memref<80xi32, #tpu.memory_space<hbm>>) dst(%arg10 : memref<80xi32, #tpu.memory_space<vmem>>)
      %dma_start3A_345 = arith.constant 0 : i32
      %dma_start3A_346 = arith.constant 0 : i32
      %dma_start3A_347 = tpu.memref_slice %arg2[%dma_start3A_345, %dma_start3A_346] : memref<10000x128xf32, #tpu.memory_space<hbm>> -> memref<10000x128xf32, #tpu.memory_space<hbm>>
      tpu.enqueue_indirect_dma source(%dma_start3A_347 : memref<10000x128xf32, #tpu.memory_space<hbm>>) target(%arg8 : memref<80x128xf32, #tpu.memory_space<vmem>>) offsets(%arg10 : memref<80xi32, #tpu.memory_space<vmem>>) semaphore(%arg19 : memref<!tpu.dma_semaphore, #tpu.memory_space<semaphore_mem>>)
      %dma_wait3A_348 = arith.constant 0 : i32
      %dma_wait3A_349 = arith.constant 0 : i32
      %dma_wait3A_350 = tpu.memref_slice %arg6[%dma_wait3A_348, %dma_wait3A_349] : memref<10240x128xf32, #tpu.memory_space<vmem_shared>> -> memref<10240x128xf32, #tpu.memory_space<vmem_shared>>
      tpu.wait_indirect_dma semaphore(%arg20 : memref<!tpu.dma_semaphore, #tpu.memory_space<semaphore_mem>>) src(%arg7 : memref<80x128xf32, #tpu.memory_space<vmem>>) dst(%dma_wait3A_350 : memref<10240x128xf32, #tpu.memory_space<vmem_shared>>)
      %dma_wait3A_351 = arith.constant 0 : i32
      %dma_wait3A_352 = arith.constant 0 : i32
      %dma_wait3A_353 = tpu.memref_slice %arg2[%dma_wait3A_351, %dma_wait3A_352] : memref<10000x128xf32, #tpu.memory_space<hbm>> -> memref<10000x128xf32, #tpu.memory_space<hbm>>
      tpu.wait_indirect_dma semaphore(%arg19 : memref<!tpu.dma_semaphore, #tpu.memory_space<semaphore_mem>>) src(%dma_wait3A_353 : memref<10000x128xf32, #tpu.memory_space<hbm>>) dst(%arg8 : memref<80x128xf32, #tpu.memory_space<vmem>>)
      %dma_wait3A_354 = tpu.memref_slice %arg4[%add3A_306] : memref<320000xi32, #tpu.memory_space<hbm>> -> memref<80xi32, #tpu.memory_space<hbm>>
      %dma_wait3A_355 = tpu.memref_slice %arg4[%add3A_306] : memref<320000xi32, #tpu.memory_space<hbm>> -> memref<80xi32, #tpu.memory_space<hbm>>
      tpu.wait_dma2 semaphore(%arg27 : memref<!tpu.dma_semaphore, #tpu.memory_space<semaphore_mem>>) src(%dma_wait3A_355 : memref<80xi32, #tpu.memory_space<hbm>>) dst(%arg15 : memref<80xi32, #tpu.memory_space<vmem>>)
      %dma_start3A_356 = arith.constant 0 : i32
      %dma_start3A_357 = arith.constant 0 : i32
      %dma_start3A_358 = tpu.memref_slice %arg6[%dma_start3A_356, %dma_start3A_357] : memref<10240x128xf32, #tpu.memory_space<vmem_shared>> -> memref<10240x128xf32, #tpu.memory_space<vmem_shared>>
      tpu.enqueue_indirect_dma source(%arg8 : memref<80x128xf32, #tpu.memory_space<vmem>>) target(%dma_start3A_358 : memref<10240x128xf32, #tpu.memory_space<vmem_shared>>) offsets(%arg15 : memref<80xi32, #tpu.memory_space<vmem>>) semaphore(%arg20 : memref<!tpu.dma_semaphore, #tpu.memory_space<semaphore_mem>>) {add = true}
      %dma_wait3A_359 = tpu.memref_slice %arg3[%add3A_278] : memref<320000xi32, #tpu.memory_space<hbm>> -> memref<80xi32, #tpu.memory_space<hbm>>
      %dma_wait3A_360 = tpu.memref_slice %arg3[%add3A_278] : memref<320000xi32, #tpu.memory_space<hbm>> -> memref<80xi32, #tpu.memory_space<hbm>>
      tpu.wait_dma2 semaphore(%arg23 : memref<!tpu.dma_semaphore, #tpu.memory_space<semaphore_mem>>) src(%dma_wait3A_360 : memref<80xi32, #tpu.memory_space<hbm>>) dst(%arg11 : memref<80xi32, #tpu.memory_space<vmem>>)
      %dma_start3A_361 = arith.constant 0 : i32
      %dma_start3A_362 = arith.constant 0 : i32
      %dma_start3A_363 = tpu.memref_slice %arg2[%dma_start3A_361, %dma_start3A_362] : memref<10000x128xf32, #tpu.memory_space<hbm>> -> memref<10000x128xf32, #tpu.memory_space<hbm>>
      tpu.enqueue_indirect_dma source(%dma_start3A_363 : memref<10000x128xf32, #tpu.memory_space<hbm>>) target(%arg7 : memref<80x128xf32, #tpu.memory_space<vmem>>) offsets(%arg11 : memref<80xi32, #tpu.memory_space<vmem>>) semaphore(%arg19 : memref<!tpu.dma_semaphore, #tpu.memory_space<semaphore_mem>>)
      %dma_wait3A_364 = arith.constant 0 : i32
      %dma_wait3A_365 = arith.constant 0 : i32
      %dma_wait3A_366 = tpu.memref_slice %arg6[%dma_wait3A_364, %dma_wait3A_365] : memref<10240x128xf32, #tpu.memory_space<vmem_shared>> -> memref<10240x128xf32, #tpu.memory_space<vmem_shared>>
      tpu.wait_indirect_dma semaphore(%arg20 : memref<!tpu.dma_semaphore, #tpu.memory_space<semaphore_mem>>) src(%arg8 : memref<80x128xf32, #tpu.memory_space<vmem>>) dst(%dma_wait3A_366 : memref<10240x128xf32, #tpu.memory_space<vmem_shared>>)
      %dma_wait3A_367 = arith.constant 0 : i32
      %dma_wait3A_368 = arith.constant 0 : i32
      %dma_wait3A_369 = tpu.memref_slice %arg2[%dma_wait3A_367, %dma_wait3A_368] : memref<10000x128xf32, #tpu.memory_space<hbm>> -> memref<10000x128xf32, #tpu.memory_space<hbm>>
      tpu.wait_indirect_dma semaphore(%arg19 : memref<!tpu.dma_semaphore, #tpu.memory_space<semaphore_mem>>) src(%dma_wait3A_369 : memref<10000x128xf32, #tpu.memory_space<hbm>>) dst(%arg7 : memref<80x128xf32, #tpu.memory_space<vmem>>)
      %dma_wait3A_370 = tpu.memref_slice %arg4[%add3A_313] : memref<320000xi32, #tpu.memory_space<hbm>> -> memref<80xi32, #tpu.memory_space<hbm>>
      %dma_wait3A_371 = tpu.memref_slice %arg4[%add3A_313] : memref<320000xi32, #tpu.memory_space<hbm>> -> memref<80xi32, #tpu.memory_space<hbm>>
      tpu.wait_dma2 semaphore(%arg28 : memref<!tpu.dma_semaphore, #tpu.memory_space<semaphore_mem>>) src(%dma_wait3A_371 : memref<80xi32, #tpu.memory_space<hbm>>) dst(%arg16 : memref<80xi32, #tpu.memory_space<vmem>>)
      %dma_start3A_372 = arith.constant 0 : i32
      %dma_start3A_373 = arith.constant 0 : i32
      %dma_start3A_374 = tpu.memref_slice %arg6[%dma_start3A_372, %dma_start3A_373] : memref<10240x128xf32, #tpu.memory_space<vmem_shared>> -> memref<10240x128xf32, #tpu.memory_space<vmem_shared>>
      tpu.enqueue_indirect_dma source(%arg7 : memref<80x128xf32, #tpu.memory_space<vmem>>) target(%dma_start3A_374 : memref<10240x128xf32, #tpu.memory_space<vmem_shared>>) offsets(%arg16 : memref<80xi32, #tpu.memory_space<vmem>>) semaphore(%arg20 : memref<!tpu.dma_semaphore, #tpu.memory_space<semaphore_mem>>) {add = true}
      %dma_wait3A_375 = tpu.memref_slice %arg3[%add3A_285] : memref<320000xi32, #tpu.memory_space<hbm>> -> memref<80xi32, #tpu.memory_space<hbm>>
      %dma_wait3A_376 = tpu.memref_slice %arg3[%add3A_285] : memref<320000xi32, #tpu.memory_space<hbm>> -> memref<80xi32, #tpu.memory_space<hbm>>
      tpu.wait_dma2 semaphore(%arg24 : memref<!tpu.dma_semaphore, #tpu.memory_space<semaphore_mem>>) src(%dma_wait3A_376 : memref<80xi32, #tpu.memory_space<hbm>>) dst(%arg12 : memref<80xi32, #tpu.memory_space<vmem>>)
      %dma_start3A_377 = arith.constant 0 : i32
      %dma_start3A_378 = arith.constant 0 : i32
      %dma_start3A_379 = tpu.memref_slice %arg2[%dma_start3A_377, %dma_start3A_378] : memref<10000x128xf32, #tpu.memory_space<hbm>> -> memref<10000x128xf32, #tpu.memory_space<hbm>>
      tpu.enqueue_indirect_dma source(%dma_start3A_379 : memref<10000x128xf32, #tpu.memory_space<hbm>>) target(%arg8 : memref<80x128xf32, #tpu.memory_space<vmem>>) offsets(%arg12 : memref<80xi32, #tpu.memory_space<vmem>>) semaphore(%arg19 : memref<!tpu.dma_semaphore, #tpu.memory_space<semaphore_mem>>)
      %dma_wait3A_380 = arith.constant 0 : i32
      %dma_wait3A_381 = arith.constant 0 : i32
      %dma_wait3A_382 = tpu.memref_slice %arg6[%dma_wait3A_380, %dma_wait3A_381] : memref<10240x128xf32, #tpu.memory_space<vmem_shared>> -> memref<10240x128xf32, #tpu.memory_space<vmem_shared>>
      tpu.wait_indirect_dma semaphore(%arg20 : memref<!tpu.dma_semaphore, #tpu.memory_space<semaphore_mem>>) src(%arg7 : memref<80x128xf32, #tpu.memory_space<vmem>>) dst(%dma_wait3A_382 : memref<10240x128xf32, #tpu.memory_space<vmem_shared>>)
      %dma_wait3A_383 = arith.constant 0 : i32
      %dma_wait3A_384 = arith.constant 0 : i32
      %dma_wait3A_385 = tpu.memref_slice %arg2[%dma_wait3A_383, %dma_wait3A_384] : memref<10000x128xf32, #tpu.memory_space<hbm>> -> memref<10000x128xf32, #tpu.memory_space<hbm>>
      tpu.wait_indirect_dma semaphore(%arg19 : memref<!tpu.dma_semaphore, #tpu.memory_space<semaphore_mem>>) src(%dma_wait3A_385 : memref<10000x128xf32, #tpu.memory_space<hbm>>) dst(%arg8 : memref<80x128xf32, #tpu.memory_space<vmem>>)
      %dma_wait3A_386 = tpu.memref_slice %arg4[%add3A_320] : memref<320000xi32, #tpu.memory_space<hbm>> -> memref<80xi32, #tpu.memory_space<hbm>>
      %dma_wait3A_387 = tpu.memref_slice %arg4[%add3A_320] : memref<320000xi32, #tpu.memory_space<hbm>> -> memref<80xi32, #tpu.memory_space<hbm>>
      tpu.wait_dma2 semaphore(%arg29 : memref<!tpu.dma_semaphore, #tpu.memory_space<semaphore_mem>>) src(%dma_wait3A_387 : memref<80xi32, #tpu.memory_space<hbm>>) dst(%arg17 : memref<80xi32, #tpu.memory_space<vmem>>)
      %dma_start3A_388 = arith.constant 0 : i32
      %dma_start3A_389 = arith.constant 0 : i32
      %dma_start3A_390 = tpu.memref_slice %arg6[%dma_start3A_388, %dma_start3A_389] : memref<10240x128xf32, #tpu.memory_space<vmem_shared>> -> memref<10240x128xf32, #tpu.memory_space<vmem_shared>>
      tpu.enqueue_indirect_dma source(%arg8 : memref<80x128xf32, #tpu.memory_space<vmem>>) target(%dma_start3A_390 : memref<10240x128xf32, #tpu.memory_space<vmem_shared>>) offsets(%arg17 : memref<80xi32, #tpu.memory_space<vmem>>) semaphore(%arg20 : memref<!tpu.dma_semaphore, #tpu.memory_space<semaphore_mem>>) {add = true}
      %dma_wait3A_391 = tpu.memref_slice %arg3[%add3A_292] : memref<320000xi32, #tpu.memory_space<hbm>> -> memref<80xi32, #tpu.memory_space<hbm>>
      %dma_wait3A_392 = tpu.memref_slice %arg3[%add3A_292] : memref<320000xi32, #tpu.memory_space<hbm>> -> memref<80xi32, #tpu.memory_space<hbm>>
      tpu.wait_dma2 semaphore(%arg25 : memref<!tpu.dma_semaphore, #tpu.memory_space<semaphore_mem>>) src(%dma_wait3A_392 : memref<80xi32, #tpu.memory_space<hbm>>) dst(%arg13 : memref<80xi32, #tpu.memory_space<vmem>>)
      %dma_start3A_393 = arith.constant 0 : i32
      %dma_start3A_394 = arith.constant 0 : i32
      %dma_start3A_395 = tpu.memref_slice %arg2[%dma_start3A_393, %dma_start3A_394] : memref<10000x128xf32, #tpu.memory_space<hbm>> -> memref<10000x128xf32, #tpu.memory_space<hbm>>
      tpu.enqueue_indirect_dma source(%dma_start3A_395 : memref<10000x128xf32, #tpu.memory_space<hbm>>) target(%arg7 : memref<80x128xf32, #tpu.memory_space<vmem>>) offsets(%arg13 : memref<80xi32, #tpu.memory_space<vmem>>) semaphore(%arg19 : memref<!tpu.dma_semaphore, #tpu.memory_space<semaphore_mem>>)
      %dma_wait3A_396 = arith.constant 0 : i32
      %dma_wait3A_397 = arith.constant 0 : i32
      %dma_wait3A_398 = tpu.memref_slice %arg6[%dma_wait3A_396, %dma_wait3A_397] : memref<10240x128xf32, #tpu.memory_space<vmem_shared>> -> memref<10240x128xf32, #tpu.memory_space<vmem_shared>>
      tpu.wait_indirect_dma semaphore(%arg20 : memref<!tpu.dma_semaphore, #tpu.memory_space<semaphore_mem>>) src(%arg8 : memref<80x128xf32, #tpu.memory_space<vmem>>) dst(%dma_wait3A_398 : memref<10240x128xf32, #tpu.memory_space<vmem_shared>>)
      %dma_wait3A_399 = arith.constant 0 : i32
      %dma_wait3A_400 = arith.constant 0 : i32
      %dma_wait3A_401 = tpu.memref_slice %arg2[%dma_wait3A_399, %dma_wait3A_400] : memref<10000x128xf32, #tpu.memory_space<hbm>> -> memref<10000x128xf32, #tpu.memory_space<hbm>>
      tpu.wait_indirect_dma semaphore(%arg19 : memref<!tpu.dma_semaphore, #tpu.memory_space<semaphore_mem>>) src(%dma_wait3A_401 : memref<10000x128xf32, #tpu.memory_space<hbm>>) dst(%arg7 : memref<80x128xf32, #tpu.memory_space<vmem>>)
      %dma_wait3A_402 = tpu.memref_slice %arg4[%add3A_327] : memref<320000xi32, #tpu.memory_space<hbm>> -> memref<80xi32, #tpu.memory_space<hbm>>
      %dma_wait3A_403 = tpu.memref_slice %arg4[%add3A_327] : memref<320000xi32, #tpu.memory_space<hbm>> -> memref<80xi32, #tpu.memory_space<hbm>>
      tpu.wait_dma2 semaphore(%arg30 : memref<!tpu.dma_semaphore, #tpu.memory_space<semaphore_mem>>) src(%dma_wait3A_403 : memref<80xi32, #tpu.memory_space<hbm>>) dst(%arg18 : memref<80xi32, #tpu.memory_space<vmem>>)
      %dma_start3A_404 = arith.constant 0 : i32
      %dma_start3A_405 = arith.constant 0 : i32
      %dma_start3A_406 = tpu.memref_slice %arg6[%dma_start3A_404, %dma_start3A_405] : memref<10240x128xf32, #tpu.memory_space<vmem_shared>> -> memref<10240x128xf32, #tpu.memory_space<vmem_shared>>
      tpu.enqueue_indirect_dma source(%arg7 : memref<80x128xf32, #tpu.memory_space<vmem>>) target(%dma_start3A_406 : memref<10240x128xf32, #tpu.memory_space<vmem_shared>>) offsets(%arg18 : memref<80xi32, #tpu.memory_space<vmem>>) semaphore(%arg20 : memref<!tpu.dma_semaphore, #tpu.memory_space<semaphore_mem>>) {add = true}
      %dma_wait3A_407 = arith.constant 0 : i32
      %dma_wait3A_408 = arith.constant 0 : i32
      %dma_wait3A_409 = tpu.memref_slice %arg6[%dma_wait3A_407, %dma_wait3A_408] : memref<10240x128xf32, #tpu.memory_space<vmem_shared>> -> memref<10240x128xf32, #tpu.memory_space<vmem_shared>>
      tpu.wait_indirect_dma semaphore(%arg20 : memref<!tpu.dma_semaphore, #tpu.memory_space<semaphore_mem>>) src(%arg7 : memref<80x128xf32, #tpu.memory_space<vmem>>) dst(%dma_wait3A_409 : memref<10240x128xf32, #tpu.memory_space<vmem_shared>>)
    }
    %scan3A_95 = arith.constant 25 : i32
    %barrier3A_96 = arith.constant 0 : index
    tpu.barrier barrier_id(%barrier3A_96)
    %add3A_97 = arith.constant 0 : i32
    %add3A_98 = arith.addi %mul3A_11, %add3A_97 : i32
    %add3A_99 = arith.constant 0 : i32
    %add3A_100 = arith.addi %mul3A_11, %add3A_99 : i32
    %dma_start3A_101 = arith.constant 0 : i32
    %dma_start3A_102 = arith.constant 0 : i32
    %dma_start3A_103 = tpu.memref_slice %arg5[%arg0, %dma_start3A_101, %dma_start3A_102] : memref<2x10240x128xf32, #tpu.memory_space<hbm>> -> memref<1x10240x128xf32, #tpu.memory_space<hbm>>
    %dma_start3A_104 = tpu.memref_squeeze %dma_start3A_103 : memref<1x10240x128xf32, #tpu.memory_space<hbm>> -> memref<10240x128xf32, #tpu.memory_space<hbm>>
    %dma_start3A_105 = arith.constant 0 : i32
    %dma_start3A_106 = tpu.memref_slice %dma_start3A_104[%add3A_100, %dma_start3A_105] : memref<10240x128xf32, #tpu.memory_space<hbm>> -> memref<80x128xf32, #tpu.memory_space<hbm>>
    %dma_start3A_107 = arith.constant 0 : i32
    %dma_start3A_108 = tpu.memref_slice %arg6[%add3A_98, %dma_start3A_107] : memref<10240x128xf32, #tpu.memory_space<vmem_shared>> -> memref<80x128xf32, #tpu.memory_space<vmem_shared>>
    tpu.enqueue_dma source(%dma_start3A_108 : memref<80x128xf32, #tpu.memory_space<vmem_shared>>) target(%dma_start3A_106 : memref<80x128xf32, #tpu.memory_space<hbm>>) target_semaphore(%arg19 : memref<!tpu.dma_semaphore, #tpu.memory_space<semaphore_mem>>)
    %add3A_109 = arith.constant 80 : i32
    %add3A_110 = arith.addi %mul3A_11, %add3A_109 : i32
    %add3A_111 = arith.constant 80 : i32
    %add3A_112 = arith.addi %mul3A_11, %add3A_111 : i32
    %dma_start3A_113 = arith.constant 0 : i32
    %dma_start3A_114 = arith.constant 0 : i32
    %dma_start3A_115 = tpu.memref_slice %arg5[%arg0, %dma_start3A_113, %dma_start3A_114] : memref<2x10240x128xf32, #tpu.memory_space<hbm>> -> memref<1x10240x128xf32, #tpu.memory_space<hbm>>
    %dma_start3A_116 = tpu.memref_squeeze %dma_start3A_115 : memref<1x10240x128xf32, #tpu.memory_space<hbm>> -> memref<10240x128xf32, #tpu.memory_space<hbm>>
    %dma_start3A_117 = arith.constant 0 : i32
    %dma_start3A_118 = tpu.memref_slice %dma_start3A_116[%add3A_112, %dma_start3A_117] : memref<10240x128xf32, #tpu.memory_space<hbm>> -> memref<80x128xf32, #tpu.memory_space<hbm>>
    %dma_start3A_119 = arith.constant 0 : i32
    %dma_start3A_120 = tpu.memref_slice %arg6[%add3A_110, %dma_start3A_119] : memref<10240x128xf32, #tpu.memory_space<vmem_shared>> -> memref<80x128xf32, #tpu.memory_space<vmem_shared>>
    tpu.enqueue_dma source(%dma_start3A_120 : memref<80x128xf32, #tpu.memory_space<vmem_shared>>) target(%dma_start3A_118 : memref<80x128xf32, #tpu.memory_space<hbm>>) target_semaphore(%arg19 : memref<!tpu.dma_semaphore, #tpu.memory_space<semaphore_mem>>)
    %add3A_121 = arith.constant 160 : i32
    %add3A_122 = arith.addi %mul3A_11, %add3A_121 : i32
    %add3A_123 = arith.constant 160 : i32
    %add3A_124 = arith.addi %mul3A_11, %add3A_123 : i32
    %dma_start3A_125 = arith.constant 0 : i32
    %dma_start3A_126 = arith.constant 0 : i32
    %dma_start3A_127 = tpu.memref_slice %arg5[%arg0, %dma_start3A_125, %dma_start3A_126] : memref<2x10240x128xf32, #tpu.memory_space<hbm>> -> memref<1x10240x128xf32, #tpu.memory_space<hbm>>
    %dma_start3A_128 = tpu.memref_squeeze %dma_start3A_127 : memref<1x10240x128xf32, #tpu.memory_space<hbm>> -> memref<10240x128xf32, #tpu.memory_space<hbm>>
    %dma_start3A_129 = arith.constant 0 : i32
    %dma_start3A_130 = tpu.memref_slice %dma_start3A_128[%add3A_124, %dma_start3A_129] : memref<10240x128xf32, #tpu.memory_space<hbm>> -> memref<80x128xf32, #tpu.memory_space<hbm>>
    %dma_start3A_131 = arith.constant 0 : i32
    %dma_start3A_132 = tpu.memref_slice %arg6[%add3A_122, %dma_start3A_131] : memref<10240x128xf32, #tpu.memory_space<vmem_shared>> -> memref<80x128xf32, #tpu.memory_space<vmem_shared>>
    tpu.enqueue_dma source(%dma_start3A_132 : memref<80x128xf32, #tpu.memory_space<vmem_shared>>) target(%dma_start3A_130 : memref<80x128xf32, #tpu.memory_space<hbm>>) target_semaphore(%arg19 : memref<!tpu.dma_semaphore, #tpu.memory_space<semaphore_mem>>)
    %add3A_133 = arith.constant 240 : i32
    %add3A_134 = arith.addi %mul3A_11, %add3A_133 : i32
    %add3A_135 = arith.constant 240 : i32
    %add3A_136 = arith.addi %mul3A_11, %add3A_135 : i32
    %dma_start3A_137 = arith.constant 0 : i32
    %dma_start3A_138 = arith.constant 0 : i32
    %dma_start3A_139 = tpu.memref_slice %arg5[%arg0, %dma_start3A_137, %dma_start3A_138] : memref<2x10240x128xf32, #tpu.memory_space<hbm>> -> memref<1x10240x128xf32, #tpu.memory_space<hbm>>
    %dma_start3A_140 = tpu.memref_squeeze %dma_start3A_139 : memref<1x10240x128xf32, #tpu.memory_space<hbm>> -> memref<10240x128xf32, #tpu.memory_space<hbm>>
    %dma_start3A_141 = arith.constant 0 : i32
    %dma_start3A_142 = tpu.memref_slice %dma_start3A_140[%add3A_136, %dma_start3A_141] : memref<10240x128xf32, #tpu.memory_space<hbm>> -> memref<80x128xf32, #tpu.memory_space<hbm>>
    %dma_start3A_143 = arith.constant 0 : i32
    %dma_start3A_144 = tpu.memref_slice %arg6[%add3A_134, %dma_start3A_143] : memref<10240x128xf32, #tpu.memory_space<vmem_shared>> -> memref<80x128xf32, #tpu.memory_space<vmem_shared>>
    tpu.enqueue_dma source(%dma_start3A_144 : memref<80x128xf32, #tpu.memory_space<vmem_shared>>) target(%dma_start3A_142 : memref<80x128xf32, #tpu.memory_space<hbm>>) target_semaphore(%arg19 : memref<!tpu.dma_semaphore, #tpu.memory_space<semaphore_mem>>)
    %add3A_145 = arith.constant 320 : i32
    %add3A_146 = arith.addi %mul3A_11, %add3A_145 : i32
    %add3A_147 = arith.constant 320 : i32
    %add3A_148 = arith.addi %mul3A_11, %add3A_147 : i32
    %dma_start3A_149 = arith.constant 0 : i32
    %dma_start3A_150 = arith.constant 0 : i32
    %dma_start3A_151 = tpu.memref_slice %arg5[%arg0, %dma_start3A_149, %dma_start3A_150] : memref<2x10240x128xf32, #tpu.memory_space<hbm>> -> memref<1x10240x128xf32, #tpu.memory_space<hbm>>
    %dma_start3A_152 = tpu.memref_squeeze %dma_start3A_151 : memref<1x10240x128xf32, #tpu.memory_space<hbm>> -> memref<10240x128xf32, #tpu.memory_space<hbm>>
    %dma_start3A_153 = arith.constant 0 : i32
    %dma_start3A_154 = tpu.memref_slice %dma_start3A_152[%add3A_148, %dma_start3A_153] : memref<10240x128xf32, #tpu.memory_space<hbm>> -> memref<80x128xf32, #tpu.memory_space<hbm>>
    %dma_start3A_155 = arith.constant 0 : i32
    %dma_start3A_156 = tpu.memref_slice %arg6[%add3A_146, %dma_start3A_155] : memref<10240x128xf32, #tpu.memory_space<vmem_shared>> -> memref<80x128xf32, #tpu.memory_space<vmem_shared>>
    tpu.enqueue_dma source(%dma_start3A_156 : memref<80x128xf32, #tpu.memory_space<vmem_shared>>) target(%dma_start3A_154 : memref<80x128xf32, #tpu.memory_space<hbm>>) target_semaphore(%arg19 : memref<!tpu.dma_semaphore, #tpu.memory_space<semaphore_mem>>)
    %add3A_157 = arith.constant 400 : i32
    %add3A_158 = arith.addi %mul3A_11, %add3A_157 : i32
    %add3A_159 = arith.constant 400 : i32
    %add3A_160 = arith.addi %mul3A_11, %add3A_159 : i32
    %dma_start3A_161 = arith.constant 0 : i32
    %dma_start3A_162 = arith.constant 0 : i32
    %dma_start3A_163 = tpu.memref_slice %arg5[%arg0, %dma_start3A_161, %dma_start3A_162] : memref<2x10240x128xf32, #tpu.memory_space<hbm>> -> memref<1x10240x128xf32, #tpu.memory_space<hbm>>
    %dma_start3A_164 = tpu.memref_squeeze %dma_start3A_163 : memref<1x10240x128xf32, #tpu.memory_space<hbm>> -> memref<10240x128xf32, #tpu.memory_space<hbm>>
    %dma_start3A_165 = arith.constant 0 : i32
    %dma_start3A_166 = tpu.memref_slice %dma_start3A_164[%add3A_160, %dma_start3A_165] : memref<10240x128xf32, #tpu.memory_space<hbm>> -> memref<80x128xf32, #tpu.memory_space<hbm>>
    %dma_start3A_167 = arith.constant 0 : i32
    %dma_start3A_168 = tpu.memref_slice %arg6[%add3A_158, %dma_start3A_167] : memref<10240x128xf32, #tpu.memory_space<vmem_shared>> -> memref<80x128xf32, #tpu.memory_space<vmem_shared>>
    tpu.enqueue_dma source(%dma_start3A_168 : memref<80x128xf32, #tpu.memory_space<vmem_shared>>) target(%dma_start3A_166 : memref<80x128xf32, #tpu.memory_space<hbm>>) target_semaphore(%arg19 : memref<!tpu.dma_semaphore, #tpu.memory_space<semaphore_mem>>)
    %add3A_169 = arith.constant 480 : i32
    %add3A_170 = arith.addi %mul3A_11, %add3A_169 : i32
    %add3A_171 = arith.constant 480 : i32
    %add3A_172 = arith.addi %mul3A_11, %add3A_171 : i32
    %dma_start3A_173 = arith.constant 0 : i32
    %dma_start3A_174 = arith.constant 0 : i32
    %dma_start3A_175 = tpu.memref_slice %arg5[%arg0, %dma_start3A_173, %dma_start3A_174] : memref<2x10240x128xf32, #tpu.memory_space<hbm>> -> memref<1x10240x128xf32, #tpu.memory_space<hbm>>
    %dma_start3A_176 = tpu.memref_squeeze %dma_start3A_175 : memref<1x10240x128xf32, #tpu.memory_space<hbm>> -> memref<10240x128xf32, #tpu.memory_space<hbm>>
    %dma_start3A_177 = arith.constant 0 : i32
    %dma_start3A_178 = tpu.memref_slice %dma_start3A_176[%add3A_172, %dma_start3A_177] : memref<10240x128xf32, #tpu.memory_space<hbm>> -> memref<80x128xf32, #tpu.memory_space<hbm>>
    %dma_start3A_179 = arith.constant 0 : i32
    %dma_start3A_180 = tpu.memref_slice %arg6[%add3A_170, %dma_start3A_179] : memref<10240x128xf32, #tpu.memory_space<vmem_shared>> -> memref<80x128xf32, #tpu.memory_space<vmem_shared>>
    tpu.enqueue_dma source(%dma_start3A_180 : memref<80x128xf32, #tpu.memory_space<vmem_shared>>) target(%dma_start3A_178 : memref<80x128xf32, #tpu.memory_space<hbm>>) target_semaphore(%arg19 : memref<!tpu.dma_semaphore, #tpu.memory_space<semaphore_mem>>)
    %add3A_181 = arith.constant 560 : i32
    %add3A_182 = arith.addi %mul3A_11, %add3A_181 : i32
    %add3A_183 = arith.constant 560 : i32
    %add3A_184 = arith.addi %mul3A_11, %add3A_183 : i32
    %dma_start3A_185 = arith.constant 0 : i32
    %dma_start3A_186 = arith.constant 0 : i32
    %dma_start3A_187 = tpu.memref_slice %arg5[%arg0, %dma_start3A_185, %dma_start3A_186] : memref<2x10240x128xf32, #tpu.memory_space<hbm>> -> memref<1x10240x128xf32, #tpu.memory_space<hbm>>
    %dma_start3A_188 = tpu.memref_squeeze %dma_start3A_187 : memref<1x10240x128xf32, #tpu.memory_space<hbm>> -> memref<10240x128xf32, #tpu.memory_space<hbm>>
    %dma_start3A_189 = arith.constant 0 : i32
    %dma_start3A_190 = tpu.memref_slice %dma_start3A_188[%add3A_184, %dma_start3A_189] : memref<10240x128xf32, #tpu.memory_space<hbm>> -> memref<80x128xf32, #tpu.memory_space<hbm>>
    %dma_start3A_191 = arith.constant 0 : i32
    %dma_start3A_192 = tpu.memref_slice %arg6[%add3A_182, %dma_start3A_191] : memref<10240x128xf32, #tpu.memory_space<vmem_shared>> -> memref<80x128xf32, #tpu.memory_space<vmem_shared>>
    tpu.enqueue_dma source(%dma_start3A_192 : memref<80x128xf32, #tpu.memory_space<vmem_shared>>) target(%dma_start3A_190 : memref<80x128xf32, #tpu.memory_space<hbm>>) target_semaphore(%arg19 : memref<!tpu.dma_semaphore, #tpu.memory_space<semaphore_mem>>)
    %dma_wait3A_193 = arith.constant 0 : i32
    %dma_wait3A_194 = arith.constant 0 : i32
    %dma_wait3A_195 = tpu.memref_slice %arg5[%arg0, %dma_wait3A_193, %dma_wait3A_194] : memref<2x10240x128xf32, #tpu.memory_space<hbm>> -> memref<1x10240x128xf32, #tpu.memory_space<hbm>>
    %dma_wait3A_196 = tpu.memref_squeeze %dma_wait3A_195 : memref<1x10240x128xf32, #tpu.memory_space<hbm>> -> memref<10240x128xf32, #tpu.memory_space<hbm>>
    %dma_wait3A_197 = arith.constant 0 : i32
    %dma_wait3A_198 = tpu.memref_slice %dma_wait3A_196[%add3A_100, %dma_wait3A_197] : memref<10240x128xf32, #tpu.memory_space<hbm>> -> memref<80x128xf32, #tpu.memory_space<hbm>>
    %dma_wait3A_199 = arith.constant 0 : i32
    %dma_wait3A_200 = tpu.memref_slice %arg6[%add3A_98, %dma_wait3A_199] : memref<10240x128xf32, #tpu.memory_space<vmem_shared>> -> memref<80x128xf32, #tpu.memory_space<vmem_shared>>
    tpu.wait_dma2 semaphore(%arg19 : memref<!tpu.dma_semaphore, #tpu.memory_space<semaphore_mem>>) src(%dma_wait3A_200 : memref<80x128xf32, #tpu.memory_space<vmem_shared>>) dst(%dma_wait3A_198 : memref<80x128xf32, #tpu.memory_space<hbm>>)
    %dma_wait3A_201 = arith.constant 0 : i32
    %dma_wait3A_202 = arith.constant 0 : i32
    %dma_wait3A_203 = tpu.memref_slice %arg5[%arg0, %dma_wait3A_201, %dma_wait3A_202] : memref<2x10240x128xf32, #tpu.memory_space<hbm>> -> memref<1x10240x128xf32, #tpu.memory_space<hbm>>
    %dma_wait3A_204 = tpu.memref_squeeze %dma_wait3A_203 : memref<1x10240x128xf32, #tpu.memory_space<hbm>> -> memref<10240x128xf32, #tpu.memory_space<hbm>>
    %dma_wait3A_205 = arith.constant 0 : i32
    %dma_wait3A_206 = tpu.memref_slice %dma_wait3A_204[%add3A_112, %dma_wait3A_205] : memref<10240x128xf32, #tpu.memory_space<hbm>> -> memref<80x128xf32, #tpu.memory_space<hbm>>
    %dma_wait3A_207 = arith.constant 0 : i32
    %dma_wait3A_208 = tpu.memref_slice %arg6[%add3A_110, %dma_wait3A_207] : memref<10240x128xf32, #tpu.memory_space<vmem_shared>> -> memref<80x128xf32, #tpu.memory_space<vmem_shared>>
    tpu.wait_dma2 semaphore(%arg19 : memref<!tpu.dma_semaphore, #tpu.memory_space<semaphore_mem>>) src(%dma_wait3A_208 : memref<80x128xf32, #tpu.memory_space<vmem_shared>>) dst(%dma_wait3A_206 : memref<80x128xf32, #tpu.memory_space<hbm>>)
    %dma_wait3A_209 = arith.constant 0 : i32
    %dma_wait3A_210 = arith.constant 0 : i32
    %dma_wait3A_211 = tpu.memref_slice %arg5[%arg0, %dma_wait3A_209, %dma_wait3A_210] : memref<2x10240x128xf32, #tpu.memory_space<hbm>> -> memref<1x10240x128xf32, #tpu.memory_space<hbm>>
    %dma_wait3A_212 = tpu.memref_squeeze %dma_wait3A_211 : memref<1x10240x128xf32, #tpu.memory_space<hbm>> -> memref<10240x128xf32, #tpu.memory_space<hbm>>
    %dma_wait3A_213 = arith.constant 0 : i32
    %dma_wait3A_214 = tpu.memref_slice %dma_wait3A_212[%add3A_124, %dma_wait3A_213] : memref<10240x128xf32, #tpu.memory_space<hbm>> -> memref<80x128xf32, #tpu.memory_space<hbm>>
    %dma_wait3A_215 = arith.constant 0 : i32
    %dma_wait3A_216 = tpu.memref_slice %arg6[%add3A_122, %dma_wait3A_215] : memref<10240x128xf32, #tpu.memory_space<vmem_shared>> -> memref<80x128xf32, #tpu.memory_space<vmem_shared>>
    tpu.wait_dma2 semaphore(%arg19 : memref<!tpu.dma_semaphore, #tpu.memory_space<semaphore_mem>>) src(%dma_wait3A_216 : memref<80x128xf32, #tpu.memory_space<vmem_shared>>) dst(%dma_wait3A_214 : memref<80x128xf32, #tpu.memory_space<hbm>>)
    %dma_wait3A_217 = arith.constant 0 : i32
    %dma_wait3A_218 = arith.constant 0 : i32
    %dma_wait3A_219 = tpu.memref_slice %arg5[%arg0, %dma_wait3A_217, %dma_wait3A_218] : memref<2x10240x128xf32, #tpu.memory_space<hbm>> -> memref<1x10240x128xf32, #tpu.memory_space<hbm>>
    %dma_wait3A_220 = tpu.memref_squeeze %dma_wait3A_219 : memref<1x10240x128xf32, #tpu.memory_space<hbm>> -> memref<10240x128xf32, #tpu.memory_space<hbm>>
    %dma_wait3A_221 = arith.constant 0 : i32
    %dma_wait3A_222 = tpu.memref_slice %dma_wait3A_220[%add3A_136, %dma_wait3A_221] : memref<10240x128xf32, #tpu.memory_space<hbm>> -> memref<80x128xf32, #tpu.memory_space<hbm>>
    %dma_wait3A_223 = arith.constant 0 : i32
    %dma_wait3A_224 = tpu.memref_slice %arg6[%add3A_134, %dma_wait3A_223] : memref<10240x128xf32, #tpu.memory_space<vmem_shared>> -> memref<80x128xf32, #tpu.memory_space<vmem_shared>>
    tpu.wait_dma2 semaphore(%arg19 : memref<!tpu.dma_semaphore, #tpu.memory_space<semaphore_mem>>) src(%dma_wait3A_224 : memref<80x128xf32, #tpu.memory_space<vmem_shared>>) dst(%dma_wait3A_222 : memref<80x128xf32, #tpu.memory_space<hbm>>)
    %dma_wait3A_225 = arith.constant 0 : i32
    %dma_wait3A_226 = arith.constant 0 : i32
    %dma_wait3A_227 = tpu.memref_slice %arg5[%arg0, %dma_wait3A_225, %dma_wait3A_226] : memref<2x10240x128xf32, #tpu.memory_space<hbm>> -> memref<1x10240x128xf32, #tpu.memory_space<hbm>>
    %dma_wait3A_228 = tpu.memref_squeeze %dma_wait3A_227 : memref<1x10240x128xf32, #tpu.memory_space<hbm>> -> memref<10240x128xf32, #tpu.memory_space<hbm>>
    %dma_wait3A_229 = arith.constant 0 : i32
    %dma_wait3A_230 = tpu.memref_slice %dma_wait3A_228[%add3A_148, %dma_wait3A_229] : memref<10240x128xf32, #tpu.memory_space<hbm>> -> memref<80x128xf32, #tpu.memory_space<hbm>>
    %dma_wait3A_231 = arith.constant 0 : i32
    %dma_wait3A_232 = tpu.memref_slice %arg6[%add3A_146, %dma_wait3A_231] : memref<10240x128xf32, #tpu.memory_space<vmem_shared>> -> memref<80x128xf32, #tpu.memory_space<vmem_shared>>
    tpu.wait_dma2 semaphore(%arg19 : memref<!tpu.dma_semaphore, #tpu.memory_space<semaphore_mem>>) src(%dma_wait3A_232 : memref<80x128xf32, #tpu.memory_space<vmem_shared>>) dst(%dma_wait3A_230 : memref<80x128xf32, #tpu.memory_space<hbm>>)
    %dma_wait3A_233 = arith.constant 0 : i32
    %dma_wait3A_234 = arith.constant 0 : i32
    %dma_wait3A_235 = tpu.memref_slice %arg5[%arg0, %dma_wait3A_233, %dma_wait3A_234] : memref<2x10240x128xf32, #tpu.memory_space<hbm>> -> memref<1x10240x128xf32, #tpu.memory_space<hbm>>
    %dma_wait3A_236 = tpu.memref_squeeze %dma_wait3A_235 : memref<1x10240x128xf32, #tpu.memory_space<hbm>> -> memref<10240x128xf32, #tpu.memory_space<hbm>>
    %dma_wait3A_237 = arith.constant 0 : i32
    %dma_wait3A_238 = tpu.memref_slice %dma_wait3A_236[%add3A_160, %dma_wait3A_237] : memref<10240x128xf32, #tpu.memory_space<hbm>> -> memref<80x128xf32, #tpu.memory_space<hbm>>
    %dma_wait3A_239 = arith.constant 0 : i32
    %dma_wait3A_240 = tpu.memref_slice %arg6[%add3A_158, %dma_wait3A_239] : memref<10240x128xf32, #tpu.memory_space<vmem_shared>> -> memref<80x128xf32, #tpu.memory_space<vmem_shared>>
    tpu.wait_dma2 semaphore(%arg19 : memref<!tpu.dma_semaphore, #tpu.memory_space<semaphore_mem>>) src(%dma_wait3A_240 : memref<80x128xf32, #tpu.memory_space<vmem_shared>>) dst(%dma_wait3A_238 : memref<80x128xf32, #tpu.memory_space<hbm>>)
    %dma_wait3A_241 = arith.constant 0 : i32
    %dma_wait3A_242 = arith.constant 0 : i32
    %dma_wait3A_243 = tpu.memref_slice %arg5[%arg0, %dma_wait3A_241, %dma_wait3A_242] : memref<2x10240x128xf32, #tpu.memory_space<hbm>> -> memref<1x10240x128xf32, #tpu.memory_space<hbm>>
    %dma_wait3A_244 = tpu.memref_squeeze %dma_wait3A_243 : memref<1x10240x128xf32, #tpu.memory_space<hbm>> -> memref<10240x128xf32, #tpu.memory_space<hbm>>
    %dma_wait3A_245 = arith.constant 0 : i32
    %dma_wait3A_246 = tpu.memref_slice %dma_wait3A_244[%add3A_172, %dma_wait3A_245] : memref<10240x128xf32, #tpu.memory_space<hbm>> -> memref<80x128xf32, #tpu.memory_space<hbm>>
    %dma_wait3A_247 = arith.constant 0 : i32
    %dma_wait3A_248 = tpu.memref_slice %arg6[%add3A_170, %dma_wait3A_247] : memref<10240x128xf32, #tpu.memory_space<vmem_shared>> -> memref<80x128xf32, #tpu.memory_space<vmem_shared>>
    tpu.wait_dma2 semaphore(%arg19 : memref<!tpu.dma_semaphore, #tpu.memory_space<semaphore_mem>>) src(%dma_wait3A_248 : memref<80x128xf32, #tpu.memory_space<vmem_shared>>) dst(%dma_wait3A_246 : memref<80x128xf32, #tpu.memory_space<hbm>>)
    %dma_wait3A_249 = arith.constant 0 : i32
    %dma_wait3A_250 = arith.constant 0 : i32
    %dma_wait3A_251 = tpu.memref_slice %arg5[%arg0, %dma_wait3A_249, %dma_wait3A_250] : memref<2x10240x128xf32, #tpu.memory_space<hbm>> -> memref<1x10240x128xf32, #tpu.memory_space<hbm>>
    %dma_wait3A_252 = tpu.memref_squeeze %dma_wait3A_251 : memref<1x10240x128xf32, #tpu.memory_space<hbm>> -> memref<10240x128xf32, #tpu.memory_space<hbm>>
    %dma_wait3A_253 = arith.constant 0 : i32
    %dma_wait3A_254 = tpu.memref_slice %dma_wait3A_252[%add3A_184, %dma_wait3A_253] : memref<10240x128xf32, #tpu.memory_space<hbm>> -> memref<80x128xf32, #tpu.memory_space<hbm>>
    %dma_wait3A_255 = arith.constant 0 : i32
    %dma_wait3A_256 = tpu.memref_slice %arg6[%add3A_182, %dma_wait3A_255] : memref<10240x128xf32, #tpu.memory_space<vmem_shared>> -> memref<80x128xf32, #tpu.memory_space<vmem_shared>>
    tpu.wait_dma2 semaphore(%arg19 : memref<!tpu.dma_semaphore, #tpu.memory_space<semaphore_mem>>) src(%dma_wait3A_256 : memref<80x128xf32, #tpu.memory_space<vmem_shared>>) dst(%dma_wait3A_254 : memref<80x128xf32, #tpu.memory_space<hbm>>)
    return
  }
}

module attributes {stable_mosaic.version = 14 : i64} {
  func.func @body(%arg0: i32, %arg1: memref<2048x128xf32, #tpu.memory_space<vmem>>, %arg2: memref<2048x128xf32, #tpu.memory_space<vmem>>, %arg3: memref<128x128xf32, #tpu.memory_space<vmem>>, %arg4: memref<2048x128xf32, #tpu.memory_space<vmem>>) attributes {dimension_semantics = [#tpu.dimension_semantics<arbitrary>], iteration_bounds = array<i64: 5>, scalar_prefetch = 0 : i64, scratch_operands = 0 : i64, tpu.core_type = #tpu.core_type<tc>, window_params = [{transform_indices = @transform_0, window_bounds = array<i64: 2048, 128>}, {transform_indices = @transform_1, window_bounds = array<i64: 2048, 128>}, {pipeline_mode = #tpu.pipeline_mode<synchronous>, transform_indices = @transform_2, window_bounds = array<i64: 128, 128>}, {transform_indices = @transform_3, window_bounds = array<i64: 2048, 128>}]} {
    %get3A = arith.constant 0 : index
    %get3A_0 = arith.constant 0 : index
    %get3A_1 = vector.load %arg1[%get3A, %get3A_0] : memref<2048x128xf32, #tpu.memory_space<vmem>>, vector<2048x128xf32>
    %get3A_2 = arith.constant 0 : index
    %get3A_3 = arith.constant 0 : index
    %get3A_4 = vector.load %arg2[%get3A_2, %get3A_3] : memref<2048x128xf32, #tpu.memory_space<vmem>>, vector<2048x128xf32>
    %add3A = arith.addf %get3A_1, %get3A_4 : vector<2048x128xf32>
    %get3A_5 = arith.constant 0 : index
    %get3A_6 = arith.constant 0 : index
    %get3A_7 = vector.load %arg3[%get3A_5, %get3A_6] : memref<128x128xf32, #tpu.memory_space<vmem>>, vector<128x128xf32>
    %dot_general3A = arith.constant dense<0.000000e+00> : vector<2048x128xf32>
    %dot_general3A_8 = tpu.matmul %add3A, %get3A_7, %dot_general3A {dimension_numbers = #tpu.dot_dimension_numbers<[1], [0], [0], [1], [0, 0, 1, 1], [], []>, transpose_lhs_hint = false} : vector<2048x128xf32>, vector<128x128xf32>, vector<2048x128xf32> -> vector<2048x128xf32>
    %max3A = arith.constant 0.000000e+00 : f32
    %max3A_9 = vector.broadcast %max3A : f32 to vector<2048x128xf32>
    %max3A_10 = arith.maximumf %dot_general3A_8, %max3A_9 : vector<2048x128xf32>
    %swap3A = arith.constant 0 : index
    %swap3A_11 = arith.constant 0 : index
    %swap3A_12 = vector.load %arg4[%swap3A, %swap3A_11] : memref<2048x128xf32, #tpu.memory_space<vmem>>, vector<2048x128xf32>
    tpu.vector_store %arg4[%swap3A, %swap3A_11], %max3A_10 {strides = array<i32>} : memref<2048x128xf32, #tpu.memory_space<vmem>>, vector<2048x128xf32>,
    return
  }
  func.func @transform_0(%arg0: i32) -> (i32, i32) {
    %c0_i32 = arith.constant 0 : i32
    %c0_i32_0 = arith.constant 0 : i32
    return %arg0, %c0_i32 : i32, i32
  }
  func.func @transform_1(%arg0: i32) -> (i32, i32) {
    %c0_i32 = arith.constant 0 : i32
    %c0_i32_0 = arith.constant 0 : i32
    return %arg0, %c0_i32 : i32, i32
  }
  func.func @transform_2(%arg0: i32) -> (i32, i32) {
    %c0_i32 = arith.constant 0 : i32
    %c0_i32_0 = arith.constant 0 : i32
    %c0_i32_1 = arith.constant 0 : i32
    return %c0_i32, %c0_i32_0 : i32, i32
  }
  func.func @transform_3(%arg0: i32) -> (i32, i32) {
    %c0_i32 = arith.constant 0 : i32
    %c0_i32_0 = arith.constant 0 : i32
    return %arg0, %c0_i32 : i32, i32
  }
}

</mosaic_0001>

<sc_bundles>
// kernel: kernel.4.cloned.1.call-start
scs
__scs_entry_jumppad:
0x0: {  	(pc) =	sbr.rel $0x88, $3  }
0x1: {  	(tag) =	ssettag $0x0;
	lr =	simm.s32 $0x1  }
0x2: {  	[smem:$0x3F9E] =	sst lr;
	_ =	strace $0xD0000000  }
0x3: {  	_ = 	snop  }
0x4: {  	_ = 	snop  }
0x5: {  	_ = 	snop  }
0x6: {  	_ = 	snop  }
0x7: {  	_ = 	snop  }
__scs_overlays_trampoline_lowered:
0x8: {  	[smem:$0x3FAD] =	sst s0  }
0x9: {  	[smem:$0x3FAE] =	sst s1  }
0xa: {  	[smem:$0x3FAF] =	sst s2  }
0xb: {  	[smem:$0x3FB0] =	sst s3  }
0xc: {  	[smem:$0x3FB1] =	sst s4  }
0xd: {  	[smem:$0x3FB2] =	sst s5  }
0xe: {  	[smem:$0x3FB3] =	sst s6  }
0xf: {  	[smem:$0x3FB4] =	sst s7  }
0x10: {  	[smem:$0x3FB5] =	sst s8  }
0x11: {  	[smem:$0x3FB6] =	sst s9;
	s0 =	simm.s32 @!p0 $0x0  }
0x12: {  	s1 =	sld [smem:$0x3F9C];
	s0 =	simm.s32 @p0 $0x1  }
0x13: {  	[smem:$0x3FB7] =	sst s0;
	s0 =	simm.s32 @!p1 $0x0  }
0x14: {  	s2 =	sld [smem:$0x3F9B];
	s0 =	simm.s32 @p1 $0x1  }
0x15: {  	[smem:$0x3FB8] =	sst s0;
	s0 =	simm.s32 @!p2 $0x0  }
0x16: {  	s3 =	sld [smem:$0x3FDB];
	s0 =	simm.s32 @p2 $0x1  }
0x17: {  	s4 =	simm.s32 $0x1BF5;
	[smem:$0x3FBA] =	sst s0  }
0x18: {  	s0 =	sld [smem:$0x3F9D];
	_ =	swait.ge [sflag:s4], $0x0  }
0x19: {  	s7 =	sld [smem:$0x3F9E]  }
0x1a: {  	s8 =	sadd.s32 $0xFFFFE003, lr  }
0x1b: {  	s9 =	sadd.s32 $0xFFFFFEF7, lr;
	s5 =	simm.s32 $0xFFFFFFFF;
	p2 =	slt.u32 s8, $0xFFFFF086  }
0x1c: {  	p1 =	slt.u32 s9, $0xF7A;
	s5 =	simm.s32 @!p2 $0x0  }
0x1d: {  	s5 =	simm.s32 @p1 $0x1;
	p0 =	seq.s32 s7, s2  }
0x1e: {  	s7 =	smul.u32 @!p0 $0xF7A, s2;
	p2 =	seq.s32 @!p0 s5, $0x0  }
0x1f: {  	s9 =	smul.u32 $0xF7A, s1;
	s8 =	simm.s32 @!p0 $0x1BF5;
	p2 =	por !p2, p0  }
0x20: {  	[sflag:s8] =	ssyncset.s32 @!p0 $0xFFFFF086;
	s6 =	sadd.s32 @!p0 s3, s7;
	s7 =	simm.s32 @!p0 $0x108  }
0x21: {  	s3 =	sadd.s32 s3, s9;
	s6 =	sadd.s32 @!p0 $0x88, s6;
	s7 =	simm.s32 @p2 $0x1082  }
0x22: {  	[simem:s7], [sflag:s8] =	dma.local @!p0 [hbm:s6], $0xF7A  }
0x23: {  	s9 =	sor.u32 $0xD0000000, s2;
	s6 =	simm.s32 $0x108;
	_ =	swait.ge @!p0 [sflag:s8], $0x0  }
0x24: {  	s3 =	sadd.s32 $0x88, s3;
	s6 =	simm.s32 @!p1 $0x1082;
	[sflag:s4] =	ssyncset.s32 $0xFFFFF086  }
0x25: {  	[simem:s6], [sflag:s4] =	dma.local [hbm:s3], $0xF7A  }
0x26: {  	[smem:$0x3F9E] =	sst s1;
	(tag) =	ssettag s2;
	_ =	strace s9  }
0x27: {  	s1 =	sld [smem:$0x3FAE]  }
0x28: {  	s2 =	sld [smem:$0x3FAF]  }
0x29: {  	s4 =	sld [smem:$0x3FB1]  }
0x2a: {  	p0 =	seq.s32 s5, $0x0;
	s5 =	sld [smem:$0x3FB2]  }
0x2b: {  	s6 =	sld [smem:$0x3FB3]  }
0x2c: {  	s7 =	sld [smem:$0x3FB4]  }
0x2d: {  	s3 =	simm.s32 $0x108;
	s8 =	sld [smem:$0x3FB5]  }
0x2e: {  	s3 =	simm.s32 @!p0 $0x1082;
	s9 =	sld [smem:$0x3FB6]  }
0x2f: {  	lr =	sadd.s32 s0, s3;
	s0 =	sld [smem:$0x3FAD]  }
0x30: {  	s3 =	sld [smem:$0x3FB0]  }
0x31: {  	[smem:$0x3FB9] =	sst s10  }
0x32: {  	s10 =	sld [smem:$0x3FB7];
	_ =	sdelay $0x3  }
0x33: {  	p0 =	seq.s32 s10, $0x1;
	s10 =	sld [smem:$0x3FB9];
	_ =	sdelay $0x3  }
0x34: {  	[smem:$0x3FB9] =	sst s10  }
0x35: {  	s10 =	sld [smem:$0x3FB8];
	_ =	sdelay $0x3  }
0x36: {  	p1 =	seq.s32 s10, $0x1;
	s10 =	sld [smem:$0x3FB9];
	_ =	sdelay $0x3  }
0x37: {  	[smem:$0x3FB9] =	sst s10  }
0x38: {  	s10 =	sld [smem:$0x3FBA]  }
0x39: {  	_ = 	snop;
	(pc) =	sbr.ind lr, $3  }
0x3a: {  	_ = 	snop  }
0x3b: {  	_ = 	snop  }
0x3c: {  	p2 =	seq.s32 s10, $0x1;
	s10 =	sld [smem:$0x3FB9]  }
0x3d: {  	_ =	shalt  }
0x3e: {  	_ =	shalt  }
0x3f: {  	_ =	shalt  }
0x40: {  	_ =	shalt  }
0x41: {  	_ =	shalt  }
0x42: {  	_ =	shalt  }
0x43: {  	_ =	shalt  }
0x44: {  	_ =	shalt  }
0x45: {  	_ =	shalt  }
0x46: {  	_ =	shalt  }
0x47: {  	_ =	shalt  }
0x48: {  	_ =	shalt  }
0x49: {  	_ =	shalt  }
0x4a: {  	_ =	shalt  }
0x4b: {  	_ =	shalt  }
0x4c: {  	_ =	shalt  }
0x4d: {  	_ =	shalt  }
0x4e: {  	_ =	shalt  }
0x4f: {  	_ =	shalt  }
0x50: {  	_ =	shalt  }
0x51: {  	_ =	shalt  }
0x52: {  	_ =	shalt  }
0x53: {  	_ =	shalt  }
0x54: {  	_ =	shalt  }
0x55: {  	_ =	shalt  }
0x56: {  	_ =	shalt  }
0x57: {  	_ =	shalt  }
0x58: {  	_ =	shalt  }
0x59: {  	_ =	shalt  }
0x5a: {  	_ =	shalt  }
0x5b: {  	_ =	shalt  }
0x5c: {  	_ =	shalt  }
0x5d: {  	_ =	shalt  }
0x5e: {  	_ =	shalt  }
0x5f: {  	_ =	shalt  }
0x60: {  	_ =	shalt  }
0x61: {  	_ =	shalt  }
0x62: {  	_ =	shalt  }
0x63: {  	_ =	shalt  }
0x64: {  	_ =	shalt  }
0x65: {  	_ =	shalt  }
0x66: {  	_ =	shalt  }
0x67: {  	_ =	shalt  }
0x68: {  	_ =	shalt  }
0x69: {  	_ =	shalt  }
0x6a: {  	_ =	shalt  }
0x6b: {  	_ =	shalt  }
0x6c: {  	_ =	shalt  }
0x6d: {  	_ =	shalt  }
0x6e: {  	_ =	shalt  }
0x6f: {  	_ =	shalt  }
0x70: {  	_ =	shalt  }
0x71: {  	_ =	shalt  }
0x72: {  	_ =	shalt  }
0x73: {  	_ =	shalt  }
0x74: {  	_ =	shalt  }
0x75: {  	_ =	shalt  }
0x76: {  	_ =	shalt  }
0x77: {  	_ =	shalt  }
0x78: {  	_ =	shalt  }
0x79: {  	_ =	shalt  }
0x7a: {  	_ =	shalt  }
0x7b: {  	_ =	shalt  }
0x7c: {  	_ =	shalt  }
0x7d: {  	_ =	shalt  }
0x7e: {  	_ =	shalt  }
0x7f: {  	_ =	shalt  }
0x80: {  	_ =	shalt  }
0x81: {  	_ =	shalt  }
0x82: {  	_ =	shalt  }
0x83: {  	_ =	shalt  }
0x84: {  	_ =	shalt  }
0x85: {  	_ =	shalt  }
0x86: {  	_ =	shalt  }
0x87: {  	_ =	shalt  }
.Lfunc_end0:
.L_simem_size_0:
called_computation_lowered:
.L_overlay_start_0:
0x88: {  	s2 =	sld [smem:$0x3FD9]  }
0x89: {  	s3 =	sld [smem:$0x3FFE];
	_ =	sdelay $0x1  }
0x8a: {  	s1 =	srdreg.scid  }
0x8b: {  	s0 =	sand.u32 $0x1, s1  }
0x8c: {  	s17 =	sshll.u32 s0, $0xA;
	s2 =	sadd.s32 s3, s2  }
0x8d: {  	s2 =	sadd.s32 s2, s17  }
0x8e: {  	[smem:$0x3FC5] =	sst s2  }
0x8f: {  	_ = 	snop  }
0x90: {  	s2 =	sld [smem:$0x3FC9]  }
0x91: {  	s18 =	sld [smem:$0x3FD0];
	(tm) =	ssettm $0x1  }
0x92: {  	s4 =	sld [smem:$0x3FFB];
	_ =	sdelay $0x3  }
0x93: {  	_ =	strace s4  }
0x94: {  	s4 =	sld [smem:$0x3FFC];
	_ =	sdelay $0x3  }
0x95: {  	_ =	strace s4  }
0x96: {  	s4 =	sld [smem:$0x3FFD];
	_ =	sdelay $0x3  }
0x97: {  	_ =	strace s4  }
0x98: {  	_ =	strace $0x8FFFFFFF  }
0x99: {  	s19 =	sld [smem:$0x3FDB];
	_ =	sdelay $0x1  }
0x9a: {  	s5 =	simm.s32 $_scs_section_size  }
0x9b: {  	s6 =	simm.s32 $_size__tile_overlayer_lowered;
	s7 =	simm.s32 $_tile_overlayer_lowered  }
0x9c: {  	s22 =	simm.s32 $0x1BFF;
	s21 =	sshll.u32 s7, $0x1;
	s4 =	sadd.s32 s5, s19  }
0x9d: {  	s8 =	simm.s32 $0x0;
	s20 =	sshll.u32 s6, $0x1;
	s6 =	sadd.s32 s21, s4  }
0x9e: {  	[timem:s8], [sflag:s22] =	dma.local [hbm:s6], s20  }
0x9f: {  	_ =	swait.ge [sflag:s22], s20  }
0xa0: {  	s5 =	ssub.s32 $0x0, s20;
	[sflag:s22] =	ssyncset.done $0x0  }
0xa1: {  	[sflag:s22] =	ssyncadd.s32 s5;
	_ =	sdelay $0x1  }
0xa2: {  	s23 =	simm.s32 $0x1B8B  }
0xa3: {  	_ =	swait.ge [sflag:s23], $0x1  }
0xa4: {  	[sflag:s23] =	ssyncset.done $0x0  }
0xa5: {  	s25 =	simm.s32 $0x1B8E;
	s24 =	sld [smem:$0x3FFE];
	[sflag:s23] =	ssyncadd.s32 $0xFFFFFFFF  }
0xa6: {  	s26 =	simm.s32 $execute0_lowered;
	[smem:$0x3FD2] =	sst s25  }
0xa7: {  	s6 =	sshll.u32 s26, $0x1;
	_ =	strace $0x80000046;
	[dreg:$0x1] =	wrdreg $0xFFFFFFFF  }
0xa8: {  	s28 =	simm.s32 $_size_execute0_lowered;
	s4 =	sadd.s32 s4, s6;
	[dreg:$0x0] =	wrdreg $0x0  }
0xa9: {  	s6 =	sshll.u32 s28, $0x1;
	[dreg:$0x2] =	wrdreg s4  }
0xaa: {  	[dreg:$0x3] =	wrdreg s6  }
0xab: {  	[dreg:$0x4] =	wrdreg $0xC0  }
0xac: {  	_ =	task [dreg:s8], $0x5FFFF  }
0xad: {  	[dreg:$0x1] =	wrdreg $0xFFFFFFFF  }
0xae: {  	[dreg:$0x0] =	wrdreg $0x60  }
0xaf: {  	[dreg:$0x2] =	wrdreg s2  }
0xb0: {  	[dreg:$0x3] =	wrdreg s24  }
0xb1: {  	[dreg:$0x4] =	wrdreg s18  }
0xb2: {  	[dreg:$0x5] =	wrdreg $0x0  }
0xb3: {  	[dreg:$0x6] =	wrdreg $0x9  }
0xb4: {  	_ =	task.clear_ibuf [dreg:s8], $0x7FFFF;
	_ =	strace $0x90000046  }
0xb5: {  	s29 =	simm.s32 $0x9;
	_ =	strace $0x80000048  }
0xb6: {  	_ =	swait.ge [sflag:s29], $0x1  }
0xb7: {  	[sflag:s29] =	ssyncadd.s32 $0xFFFFFFFF  }
0xb8: {  	_ =	strace $0x90000048  }
0xb9: {  	_ =	sfence  }
0xba: {  	s30 =	sld [smem:$0x0];
	_ =	sdelay $0x2  }
0xbb: {  	s31 =	sshll.u32 s1, $0xD;
	s1 =	sshrl.u32 s1, $0x2  }
0xbc: {  	s3 =	sand.u32 $0x4000, s31;
	s1 =	sadd.s32 s1, s30  }
0xbd: {  	s0 =	sor.u32 s3, s0;
	s1 =	sshll.u32 s1, $0x11  }
0xbe: {  	s0 =	sor.u32 s1, s0  }
0xbf: {  	s0 =	sadd.s32 $0x8F2B, s0  }
0xc0: {  	[sflag:s0] =	ssyncadd.remote.s32 $0x1  }
0xc1: {  	_ =	sfence.sel $0xFFFF  }
0xc2: {  	[dreg:$0x0] =	wrdreg $0xFFFFFFFF;
	(pc) =	sbr.abs _section_cstart, $3  }
0xc3: {  	[dreg:$0x1] =	wrdreg $0xFFFFFFFF  }
0xc4: {  	_ =	task.clear_ibuf [dreg:s8], $0x2FFFF;
	_ =	strace $0x9FFFFFFF  }
0xc5: {  	(tm) =	ssettm $0x7FFFFFFF  }
tec
execute0_lowered:
.L_overlay_start_1:
0x0: {  	(tag) =	ssettag $0x1  }
0x1: {  	s1 =	rddreg [dreg:$0x0]  }
0x2: {  	s0 =	rddreg [dreg:$0x1]  }
0x3: {  	s3 =	rddreg [dreg:$0x2]  }
0x4: {  	s2 =	rddreg [dreg:$0x3];
	s18 =	stileid.u32  }
0x5: {  	s4 =	srdreg.scid;
	s28 =	simm.s32 $0x19080;
	s7 =	smul.u32 $0x50000, s18  }
0x6: {  	s29 =	simm.s32 $0x19180;
	s30 =	simm.s32 $0x19280;
	s9 =	smul.u32 $0x280, s18  }
0x7: {  	s6 =	sand.u32 $0x1, s4;
	s4 =	simm.s32 $0x0;
	s12 =	smul.u32 $0x4E20, s18  }
0x8: {  	s31 =	simm.s32 $0x19300;
	s5 =	smul.u32 $0x28000, s6;
	[smem:$0x7FF] =	sst s4  }
0x9: {  	s8 =	ssub.s32 $0x2, s6;
	s6 =	smul.u32 $0x2710, s6;
	_ =	strace $0x80000047  }
0xa: {  	s17 =	sshrl.u32 s8, $0x1;
	s7 =	sshrl.u32 s7, $0x2;
	s11 =	sadd.s32 $0xA0, s9  }
0xb: {  	s14 =	sadd.s32 $0xF0, s9;
	s10 =	sadd.s32 s5, s0;
	s5 =	ssub.s32 s8, s17  }
0xc: {  	s25 =	sadd.s32 s7, s2;
	s7 =	sor.u32 $0x50, s9;
	s13 =	sshll.u32 s11, $0x7  }
0xd: {  	s21 =	sshll.u32 s14, $0x7;
	s6 =	sadd.s32 s6, s12;
	s11 =	sshll.u32 s11, $0x4  }
0xe: {  	s19 =	sshll.u32 s7, $0x7;
	s20 =	sadd.s32 s13, s2;
	s8 =	sadd.s32 s21, s2  }
0xf: {  	s13 =	sadd.s32 $0x190, s9;
	s15 =	sadd.s32 $0x140, s6;
	s16 =	sadd.s32 $0xF0, s6  }
0x10: {  	s21 =	sadd.s32 $0xA0, s6;
	s10 =	sadd.s32 $0x9E00, s10;
	[dreg:$0xf] =	wrdreg s25  }
0x11: {  	s7 =	sshll.u32 s7, $0x4;
	s5 =	smax.u32 s5, $0x1;
	[dreg:$0x11] =	wrdreg s20  }
0x12: {  	s26 =	sadd.s32 s19, s2;
	[dreg:$0x12] =	wrdreg s8;
	s8 =	sadd.s32 $0x140, s9  }
0x13: {  	s23 =	sshll.u32 s13, $0x7;
	s15 =	sshrl.u32 s15, $0x3;
	s19 =	sshrl.u32 s16, $0x3  }
0x14: {  	s16 =	sadd.s32 $0x1E0, s9;
	s9 =	sadd.s32 $0x230, s9;
	[dreg:$0x17] =	wrdreg s5  }
0x15: {  	s13 =	sshll.u32 s13, $0x4;
	s24 =	sadd.s32 s15, s3;
	[dreg:$0x10] =	wrdreg s26  }
0x16: {  	s5 =	simm.s32 $0xA;
	s17 =	sadd.s32 s15, s0;
	[dreg:$0x5] =	wrdreg s24  }
0x17: {  	s22 =	sshll.u32 s8, $0x7;
	s20 =	sadd.s32 s19, s3;
	[dreg:$0x6] =	wrdreg s17  }
0x18: {  	s8 =	sshll.u32 s8, $0x4;
	s12 =	sadd.s32 s22, s2;
	[dreg:$0x7] =	wrdreg s20  }
0x19: {  	s22 =	sadd.s32 s19, s0;
	s17 =	sshll.u32 s16, $0x7;
	s19 =	sadd.s32 $0x50, s6  }
0x1a: {  	s6 =	sshrl.u32 s6, $0x3;
	[dreg:$0x13] =	wrdreg s12;
	s12 =	sadd.s32 s23, s2  }
0x1b: {  	s23 =	sshrl.u32 s21, $0x3;
	[dreg:$0x8] =	wrdreg s22;
	s17 =	sadd.s32 s17, s2  }
0x1c: {  	s21 =	sshll.u32 s9, $0x7;
	s22 =	smul.u32 $0x2800, s18;
	s9 =	sshll.u32 s9, $0x4  }
0x1d: {  	s18 =	simm.s32 $0x50;
	[dreg:$0x14] =	wrdreg s12;
	s24 =	sadd.s32 s23, s3  }
0x1e: {  	[dreg:$0x15] =	wrdreg s17;
	s15 =	sadd.s32 s23, s0;
	s12 =	sshrl.u32 s19, $0x3  }
0x1f: {  	s23 =	sshll.u32 s14, $0x4;
	s14 =	simm.s32 $0x14000;
	[dreg:$0x9] =	wrdreg s24  }
0x20: {  	s19 =	sadd.s32 s11, s10;
	s17 =	simm.s32 $0x3;
	[dreg:$0xa] =	wrdreg s15  }
0x21: {  	s11 =	simm.s32 $0x0;
	s20 =	sadd.s32 s12, s3;
	[dreg:$0x1a] =	wrdreg s19  }
0x22: {  	s12 =	sadd.s32 s12, s0;
	s15 =	sadd.s32 s21, s2;
	[dreg:$0xb] =	wrdreg s20  }
0x23: {  	s24 =	sshll.u32 s16, $0x4;
	s3 =	sadd.s32 s6, s3;
	[dreg:$0x16] =	wrdreg s15  }
0x24: {  	s0 =	sadd.s32 s6, s0;
	s16 =	simm.s32 $0x19000;
	[dreg:$0xc] =	wrdreg s12  }
0x25: {  	s6 =	sadd.s32 s22, s10;
	s21 =	sadd.s32 s8, s10;
	[dreg:$0xd] =	wrdreg s3  }
0x26: {  	s22 =	sadd.s32 s13, s10;
	s13 =	simm.s32 $0x19480;
	[dreg:$0xe] =	wrdreg s0  }
0x27: {  	s19 =	simm.s32 $0x8;
	s8 =	simm.s32 $0x7;
	[dreg:$0x18] =	wrdreg s6  }
0x28: {  	s15 =	simm.s32 $0x1;
	s12 =	sadd.s32 s7, s10;
	[dreg:$0x1c] =	wrdreg s21  }
0x29: {  	s20 =	sadd.s32 s23, s10;
	[dreg:$0x1d] =	wrdreg s22;
	s23 =	sadd.s32 s24, s10  }
0x2a: {  	s24 =	sadd.s32 s9, s10;
	s0 =	simm.s32 $0x19380;
	[dreg:$0x19] =	wrdreg s12  }
0x2b: {  	s3 =	simm.s32 $0x19400;
	s21 =	simm.s32 $0x16800;
	[dreg:$0x1b] =	wrdreg s20  }
0x2c: {  	s22 =	simm.s32 $0x2;
	s6 =	simm.s32 $0x6;
	[dreg:$0x1e] =	wrdreg s23  }
0x2d: {  	s7 =	simm.s32 $0xB;
	s9 =	simm.s32 $0xC;
	[dreg:$0x1f] =	wrdreg s24  }
0x2e: {  	v0 =	vimm.f32 $0.0e+00;
	s20 =	simm.s32 $0x4;
	s23 =	simm.s32 $0x9;
	s24 =	simm.s32 $0x5  }
.LBB2_1:
0x2f: {  	[smem:$0x7FD] =	sst s11;
	s11 =	simm.s32 $0x0;
	s12 =	simm.s32 $0x200  }
.LBB2_2:
0x30: {  	p0 =	sne.s32 s12, $0x9E00;
	[tilespmem:s11+$0x14070] =	vst v0  }
0x31: {  	[tilespmem:s11+$0x14000] =	vst v0  }
0x32: {  	[tilespmem:s11+$0x14010] =	vst v0  }
.Ltmp0:
0x33: {  	[tilespmem:s11+$0x14020] =	vst v0;
	(pc) =	sbr.rel @p0 .LBB2_2-.Ltmp0, $4  }
0x34: {  	[tilespmem:s11+$0x14030] =	vst v0  }
0x35: {  	[tilespmem:s11+$0x14040] =	vst v0  }
0x36: {  	[tilespmem:s11+$0x14050] =	vst v0  }
0x37: {  	[tilespmem:s11+$0x14060] =	vst v0;
	s11 =	sshra.s32 s12, $0x2;
	s12 =	sadd.s32 $0x200, s12  }
0x38: {  	[tilespmem:s11+$0x14070] =	vst v0  }
0x39: {  	[tilespmem:s11+$0x14000] =	vst v0  }
0x3a: {  	[tilespmem:s11+$0x14010] =	vst v0  }
0x3b: {  	[tilespmem:s11+$0x14020] =	vst v0  }
0x3c: {  	[tilespmem:s11+$0x14030] =	vst v0  }
0x3d: {  	[tilespmem:s11+$0x14040] =	vst v0  }
0x3e: {  	[tilespmem:s11+$0x14050] =	vst v0  }
0x3f: {  	[tilespmem:s11+$0x14060] =	vst v0  }
0x40: {  	[spmem:s25] =	stream.linear.scatter [tilespmem:s14], [sflag:$0x1], $0x2800, $0x38;
	[tilespmem:$0x19500] =	vst v63  }
0x41: {  	_ = 	snop  }
0x42: {  	[spmem:s26] =	stream.linear.scatter [tilespmem:s14], [sflag:$0x1], $0x2800, $0x38;
	[tilespmem:$0x19500] =	vst v63  }
0x43: {  	s10 =	rddreg [dreg:$0x11]  }
0x44: {  	[spmem:s10] =	stream.linear.scatter [tilespmem:s14], [sflag:$0x1], $0x2800, $0x38;
	[tilespmem:$0x19500] =	vst v63  }
0x45: {  	s12 =	rddreg [dreg:$0x12]  }
0x46: {  	[spmem:s12] =	stream.linear.scatter [tilespmem:s14], [sflag:$0x1], $0x2800, $0x38;
	[tilespmem:$0x19500] =	vst v63  }
0x47: {  	s25 =	rddreg [dreg:$0x13]  }
0x48: {  	[spmem:s25] =	stream.linear.scatter [tilespmem:s14], [sflag:$0x1], $0x2800, $0x38;
	[tilespmem:$0x19500] =	vst v63  }
0x49: {  	s26 =	rddreg [dreg:$0x14]  }
0x4a: {  	[spmem:s26] =	stream.linear.scatter [tilespmem:s14], [sflag:$0x1], $0x2800, $0x38;
	[tilespmem:$0x19500] =	vst v63  }
0x4b: {  	s11 =	rddreg [dreg:$0x15]  }
0x4c: {  	[spmem:s11] =	stream.linear.scatter [tilespmem:s14], [sflag:$0x1], $0x2800, $0x38;
	[tilespmem:$0x19500] =	vst v63  }
0x4d: {  	s12 =	rddreg [dreg:$0x16]  }
0x4e: {  	[spmem:s12] =	stream.linear.scatter [tilespmem:s14], [sflag:$0x1], $0x2800, $0x38;
	[tilespmem:$0x19500] =	vst v63  }
0x4f: {  	_ =	swait.ge [sflag:s15], $0x2800  }
0x50: {  	[sflag:s15] =	ssyncset.done $0x0  }
0x51: {  	[sflag:s15] =	ssyncadd.s32 $0xFFFFD800  }
0x52: {  	_ =	swait.ge [sflag:s15], $0x2800  }
0x53: {  	[sflag:s15] =	ssyncset.done $0x0  }
0x54: {  	[sflag:s15] =	ssyncadd.s32 $0xFFFFD800  }
0x55: {  	_ =	swait.ge [sflag:s15], $0x2800  }
0x56: {  	[sflag:s15] =	ssyncset.done $0x0  }
0x57: {  	[sflag:s15] =	ssyncadd.s32 $0xFFFFD800  }
0x58: {  	_ =	swait.ge [sflag:s15], $0x2800  }
0x59: {  	[sflag:s15] =	ssyncset.done $0x0  }
0x5a: {  	[sflag:s15] =	ssyncadd.s32 $0xFFFFD800  }
0x5b: {  	_ =	swait.ge [sflag:s15], $0x2800  }
0x5c: {  	[sflag:s15] =	ssyncset.done $0x0  }
0x5d: {  	[sflag:s15] =	ssyncadd.s32 $0xFFFFD800  }
0x5e: {  	_ =	swait.ge [sflag:s15], $0x2800  }
0x5f: {  	[sflag:s15] =	ssyncset.done $0x0  }
0x60: {  	[sflag:s15] =	ssyncadd.s32 $0xFFFFD800  }
0x61: {  	_ =	swait.ge [sflag:s15], $0x2800  }
0x62: {  	[sflag:s15] =	ssyncset.done $0x0  }
0x63: {  	[sflag:s15] =	ssyncadd.s32 $0xFFFFD800  }
0x64: {  	_ =	swait.ge [sflag:s15], $0x2800  }
0x65: {  	[sflag:s15] =	ssyncset.done $0x0  }
0x66: {  	[sflag:s15] =	ssyncadd.s32 $0xFFFFD800  }
0x67: {  	[bflag:$0x0] =	sbarrier.arrive $0xFFFF  }
0x68: {  	s25 =	rddreg [dreg:$0xe]  }
0x69: {  	s26 =	rddreg [dreg:$0xc];
	s10 =	sadd.s32 $0x0, s25  }
0x6a: {  	[tilespmem:s16], [sflag:$0x3] =	stream.linear.gather [hbm4b:s10+s4], $0x50, $0x38;
	[tilespmem:$0x19500] =	vst v63  }
0x6b: {  	s12 =	rddreg [dreg:$0xa];
	s25 =	sadd.s32 $0x0, s26  }
0x6c: {  	[tilespmem:s28], [sflag:$0x4] =	stream.linear.gather [hbm4b:s25+s4], $0x50, $0x38;
	[tilespmem:$0x19500] =	vst v63  }
0x6d: {  	s11 =	rddreg [dreg:$0x8];
	s26 =	sadd.s32 $0x0, s12;
	s25 =	simm.s32 $0x19100  }
0x6e: {  	[tilespmem:s25], [sflag:$0x5] =	stream.linear.gather [hbm4b:s26+s4], $0x50, $0x38;
	[tilespmem:$0x19500] =	vst v63  }
0x6f: {  	s12 =	rddreg [dreg:$0x6];
	s26 =	sadd.s32 $0x0, s11  }
0x70: {  	[tilespmem:s29], [sflag:$0x6] =	stream.linear.gather [hbm4b:s26+s4], $0x50, $0x38;
	[tilespmem:$0x19500] =	vst v63  }
0x71: {  	s10 =	sadd.s32 $0x0, s12;
	s11 =	rddreg [dreg:$0xd];
	s26 =	simm.s32 $0x19200  }
0x72: {  	[tilespmem:s26], [sflag:$0x7] =	stream.linear.gather [hbm4b:s10+s4], $0x50, $0x38;
	[tilespmem:$0x19500] =	vst v63  }
0x73: {  	s12 =	rddreg [dreg:$0xb];
	s10 =	sadd.s32 $0x0, s11  }
0x74: {  	[tilespmem:s30], [sflag:$0x8] =	stream.linear.gather [hbm4b:s10+s4], $0x50, $0x38;
	[tilespmem:$0x19500] =	vst v63  }
0x75: {  	s11 =	rddreg [dreg:$0x9];
	s10 =	sadd.s32 $0x0, s12  }
0x76: {  	[tilespmem:s31], [sflag:$0x9] =	stream.linear.gather [hbm4b:s10+s4], $0x50, $0x38;
	[tilespmem:$0x19500] =	vst v63  }
0x77: {  	s12 =	rddreg [dreg:$0x7];
	s10 =	sadd.s32 $0x0, s11  }
0x78: {  	[tilespmem:s0], [sflag:$0xA] =	stream.linear.gather [hbm4b:s10+s4], $0x50, $0x38;
	[tilespmem:$0x19500] =	vst v63  }
0x79: {  	s12 =	sadd.s32 $0x0, s12;
	s11 =	rddreg [dreg:$0x5]  }
0x7a: {  	[tilespmem:s3], [sflag:$0xB] =	stream.linear.gather [hbm4b:s12+s4], $0x50, $0x38;
	[tilespmem:$0x19500] =	vst v63  }
0x7b: {  	s12 =	sadd.s32 $0x0, s11  }
0x7c: {  	[tilespmem:s13], [sflag:$0xC] =	stream.linear.gather [hbm4b:s12+s4], $0x50, $0x38;
	[tilespmem:$0x19500] =	vst v63  }
0x7d: {  	_ =	swait.ge [sflag:s17], $0x50  }
0x7e: {  	[sflag:s17] =	ssyncset.done $0x0  }
0x7f: {  	[sflag:s17] =	ssyncadd.s32 $0xFFFFFFB0  }
0x80: {  	[tilespmem:s14], [sflag:$0x1] =	stream.indirect.gather [hbm4b:s1+s18], $0x80, s16, s18, $0xb8;
	[tilespmem:$0x19500] =	vst v63  }
0x81: {  	_ =	swait.ge [sflag:s15], $0x2800  }
0x82: {  	[sflag:s15] =	ssyncset.done $0x0  }
0x83: {  	[sflag:s15] =	ssyncadd.s32 $0xFFFFD800  }
0x84: {  	_ =	swait.ge [sflag:s19], $0x50  }
0x85: {  	[sflag:s19] =	ssyncset.done $0x0  }
0x86: {  	[sflag:s19] =	ssyncadd.s32 $0xFFFFFFB0  }
0x87: {  	[spmem:s2] =	stream.indirect.scatter.add.f32 [tilespmem:s14], [sflag:$0x2], $0x80, s30, s18, $0xb8;
	[tilespmem:$0x19500] =	vst v63  }
0x88: {  	_ =	swait.ge [sflag:s20], $0x50  }
0x89: {  	[sflag:s20] =	ssyncset.done $0x0  }
0x8a: {  	[sflag:s20] =	ssyncadd.s32 $0xFFFFFFB0  }
0x8b: {  	[tilespmem:s21], [sflag:$0x1] =	stream.indirect.gather [hbm4b:s1+s18], $0x80, s28, s18, $0xb8;
	[tilespmem:$0x19500] =	vst v63  }
0x8c: {  	_ =	swait.ge [sflag:s22], $0x2800  }
0x8d: {  	[sflag:s22] =	ssyncset.done $0x0  }
0x8e: {  	[sflag:s22] =	ssyncadd.s32 $0xFFFFD800  }
0x8f: {  	_ =	swait.ge [sflag:s15], $0x2800  }
0x90: {  	[sflag:s15] =	ssyncset.done $0x0  }
0x91: {  	[sflag:s15] =	ssyncadd.s32 $0xFFFFD800  }
0x92: {  	_ =	swait.ge [sflag:s23], $0x50  }
0x93: {  	[sflag:s23] =	ssyncset.done $0x0  }
0x94: {  	[sflag:s23] =	ssyncadd.s32 $0xFFFFFFB0  }
0x95: {  	[spmem:s2] =	stream.indirect.scatter.add.f32 [tilespmem:s21], [sflag:$0x2], $0x80, s31, s18, $0xb8;
	[tilespmem:$0x19500] =	vst v63  }
0x96: {  	_ =	swait.ge [sflag:s24], $0x50  }
0x97: {  	[sflag:s24] =	ssyncset.done $0x0  }
0x98: {  	[sflag:s24] =	ssyncadd.s32 $0xFFFFFFB0  }
0x99: {  	[tilespmem:s14], [sflag:$0x1] =	stream.indirect.gather [hbm4b:s1+s18], $0x80, s25, s18, $0xb8;
	[tilespmem:$0x19500] =	vst v63  }
0x9a: {  	_ =	swait.ge [sflag:s22], $0x2800  }
0x9b: {  	[sflag:s22] =	ssyncset.done $0x0  }
0x9c: {  	[sflag:s22] =	ssyncadd.s32 $0xFFFFD800  }
0x9d: {  	_ =	swait.ge [sflag:s15], $0x2800  }
0x9e: {  	[sflag:s15] =	ssyncset.done $0x0  }
0x9f: {  	[sflag:s15] =	ssyncadd.s32 $0xFFFFD800  }
0xa0: {  	_ =	swait.ge [sflag:s5], $0x50  }
0xa1: {  	[sflag:s5] =	ssyncset.done $0x0  }
0xa2: {  	[sflag:s5] =	ssyncadd.s32 $0xFFFFFFB0  }
0xa3: {  	[spmem:s2] =	stream.indirect.scatter.add.f32 [tilespmem:s14], [sflag:$0x2], $0x80, s0, s18, $0xb8;
	[tilespmem:$0x19500] =	vst v63  }
0xa4: {  	_ =	swait.ge [sflag:s6], $0x50  }
0xa5: {  	[sflag:s6] =	ssyncset.done $0x0  }
0xa6: {  	[sflag:s6] =	ssyncadd.s32 $0xFFFFFFB0  }
0xa7: {  	[tilespmem:s21], [sflag:$0x1] =	stream.indirect.gather [hbm4b:s1+s18], $0x80, s29, s18, $0xb8;
	[tilespmem:$0x19500] =	vst v63  }
0xa8: {  	_ =	swait.ge [sflag:s22], $0x2800  }
0xa9: {  	[sflag:s22] =	ssyncset.done $0x0  }
0xaa: {  	[sflag:s22] =	ssyncadd.s32 $0xFFFFD800  }
0xab: {  	_ =	swait.ge [sflag:s15], $0x2800  }
0xac: {  	[sflag:s15] =	ssyncset.done $0x0  }
0xad: {  	[sflag:s15] =	ssyncadd.s32 $0xFFFFD800  }
0xae: {  	_ =	swait.ge [sflag:s7], $0x50  }
0xaf: {  	[sflag:s7] =	ssyncset.done $0x0  }
0xb0: {  	[sflag:s7] =	ssyncadd.s32 $0xFFFFFFB0  }
0xb1: {  	[spmem:s2] =	stream.indirect.scatter.add.f32 [tilespmem:s21], [sflag:$0x2], $0x80, s3, s18, $0xb8;
	[tilespmem:$0x19500] =	vst v63  }
0xb2: {  	_ =	swait.ge [sflag:s8], $0x50  }
0xb3: {  	[sflag:s8] =	ssyncset.done $0x0  }
0xb4: {  	[sflag:s8] =	ssyncadd.s32 $0xFFFFFFB0  }
0xb5: {  	[tilespmem:s14], [sflag:$0x1] =	stream.indirect.gather [hbm4b:s1+s18], $0x80, s26, s18, $0xb8;
	[tilespmem:$0x19500] =	vst v63  }
0xb6: {  	_ =	swait.ge [sflag:s22], $0x2800  }
0xb7: {  	[sflag:s22] =	ssyncset.done $0x0  }
0xb8: {  	[sflag:s22] =	ssyncadd.s32 $0xFFFFD800  }
0xb9: {  	_ =	swait.ge [sflag:s15], $0x2800  }
0xba: {  	[sflag:s15] =	ssyncset.done $0x0  }
0xbb: {  	[sflag:s15] =	ssyncadd.s32 $0xFFFFD800  }
0xbc: {  	_ =	swait.ge [sflag:s9], $0x50  }
0xbd: {  	[sflag:s9] =	ssyncset.done $0x0  }
0xbe: {  	[sflag:s9] =	ssyncadd.s32 $0xFFFFFFB0  }
0xbf: {  	[spmem:s2] =	stream.indirect.scatter.add.f32 [tilespmem:s14], [sflag:$0x2], $0x80, s13, s18, $0xb8;
	[tilespmem:$0x19500] =	vst v63  }
0xc0: {  	s11 =	simm.s32 $0x32;
	_ =	swait.ge [sflag:s22], $0x2800  }
0xc1: {  	s12 =	simm.s32 $0x64;
	s10 =	rddreg [dreg:$0xe];
	[sflag:s22] =	ssyncset.done $0x0  }
.LBB2_4:
0xc2: {  	[sflag:s22] =	ssyncadd.s32 $0xFFFFD800  }
0xc3: {  	s28 =	simm.s32 $0x19000;
	s25 =	rddreg [dreg:$0xc];
	s10 =	sadd.s32 s11, s10  }
0xc4: {  	[tilespmem:s28], [sflag:$0x3] =	stream.linear.gather [hbm4b:s10+s4], $0x50, $0x38;
	[tilespmem:$0x19500] =	vst v63  }
0xc5: {  	s26 =	rddreg [dreg:$0xa];
	s28 =	simm.s32 $0x19080;
	s10 =	sadd.s32 s11, s25  }
0xc6: {  	[tilespmem:s28], [sflag:$0x4] =	stream.linear.gather [hbm4b:s10+s4], $0x50, $0x38;
	[tilespmem:$0x19500] =	vst v63  }
0xc7: {  	s29 =	simm.s32 $0x19100;
	s25 =	rddreg [dreg:$0x8];
	s10 =	sadd.s32 s11, s26  }
0xc8: {  	[tilespmem:s29], [sflag:$0x5] =	stream.linear.gather [hbm4b:s10+s4], $0x50, $0x38;
	[tilespmem:$0x19500] =	vst v63  }
0xc9: {  	s26 =	rddreg [dreg:$0x6];
	s29 =	simm.s32 $0x19180;
	s10 =	sadd.s32 s11, s25  }
0xca: {  	[tilespmem:s29], [sflag:$0x6] =	stream.linear.gather [hbm4b:s10+s4], $0x50, $0x38;
	[tilespmem:$0x19500] =	vst v63  }
0xcb: {  	s30 =	simm.s32 $0x19200;
	s25 =	rddreg [dreg:$0xd];
	s10 =	sadd.s32 s11, s26  }
0xcc: {  	[tilespmem:s30], [sflag:$0x7] =	stream.linear.gather [hbm4b:s10+s4], $0x50, $0x38;
	[tilespmem:$0x19500] =	vst v63  }
0xcd: {  	s26 =	rddreg [dreg:$0xb];
	s30 =	simm.s32 $0x19280;
	s10 =	sadd.s32 s11, s25  }
0xce: {  	[tilespmem:s30], [sflag:$0x8] =	stream.linear.gather [hbm4b:s10+s4], $0x50, $0x38;
	[tilespmem:$0x19500] =	vst v63  }
0xcf: {  	s25 =	rddreg [dreg:$0x9];
	s10 =	sadd.s32 s11, s26  }
0xd0: {  	[tilespmem:s31], [sflag:$0x9] =	stream.linear.gather [hbm4b:s10+s4], $0x50, $0x38;
	[tilespmem:$0x19500] =	vst v63  }
0xd1: {  	s26 =	rddreg [dreg:$0x7];
	s10 =	sadd.s32 s11, s25  }
0xd2: {  	[tilespmem:s0], [sflag:$0xA] =	stream.linear.gather [hbm4b:s10+s4], $0x50, $0x38;
	[tilespmem:$0x19500] =	vst v63  }
0xd3: {  	s25 =	rddreg [dreg:$0x5];
	s10 =	sadd.s32 s11, s26  }
0xd4: {  	[tilespmem:s3], [sflag:$0xB] =	stream.linear.gather [hbm4b:s10+s4], $0x50, $0x38;
	[tilespmem:$0x19500] =	vst v63  }
0xd5: {  	s10 =	sadd.s32 s11, s25  }
0xd6: {  	[tilespmem:s13], [sflag:$0xC] =	stream.linear.gather [hbm4b:s10+s4], $0x50, $0x38;
	[tilespmem:$0x19500] =	vst v63  }
0xd7: {  	_ =	swait.ge [sflag:s17], $0x50  }
0xd8: {  	s16 =	smov.u32 s12;
	[sflag:s17] =	ssyncset.done $0x0  }
0xd9: {  	s11 =	smov.u32 s16;
	s16 =	simm.s32 $0x19000;
	[sflag:s17] =	ssyncadd.s32 $0xFFFFFFB0  }
0xda: {  	[tilespmem:s14], [sflag:$0x1] =	stream.indirect.gather [hbm4b:s1+s18], $0x80, s16, s18, $0xb8;
	[tilespmem:$0x19500] =	vst v63  }
0xdb: {  	_ =	swait.ge [sflag:s15], $0x2800  }
0xdc: {  	[sflag:s15] =	ssyncset.done $0x0  }
0xdd: {  	[sflag:s15] =	ssyncadd.s32 $0xFFFFD800  }
0xde: {  	_ =	swait.ge [sflag:s19], $0x50  }
0xdf: {  	[sflag:s19] =	ssyncset.done $0x0  }
0xe0: {  	[sflag:s19] =	ssyncadd.s32 $0xFFFFFFB0  }
0xe1: {  	[spmem:s2] =	stream.indirect.scatter.add.f32 [tilespmem:s14], [sflag:$0x2], $0x80, s30, s18, $0xb8;
	[tilespmem:$0x19500] =	vst v63  }
0xe2: {  	_ =	swait.ge [sflag:s20], $0x50  }
0xe3: {  	[sflag:s20] =	ssyncset.done $0x0  }
0xe4: {  	[sflag:s20] =	ssyncadd.s32 $0xFFFFFFB0  }
0xe5: {  	[tilespmem:s21], [sflag:$0x1] =	stream.indirect.gather [hbm4b:s1+s18], $0x80, s28, s18, $0xb8;
	[tilespmem:$0x19500] =	vst v63  }
0xe6: {  	_ =	swait.ge [sflag:s22], $0x2800  }
0xe7: {  	[sflag:s22] =	ssyncset.done $0x0  }
0xe8: {  	[sflag:s22] =	ssyncadd.s32 $0xFFFFD800  }
0xe9: {  	_ =	swait.ge [sflag:s15], $0x2800  }
0xea: {  	[sflag:s15] =	ssyncset.done $0x0  }
0xeb: {  	[sflag:s15] =	ssyncadd.s32 $0xFFFFD800  }
0xec: {  	_ =	swait.ge [sflag:s23], $0x50  }
0xed: {  	[sflag:s23] =	ssyncset.done $0x0  }
0xee: {  	[sflag:s23] =	ssyncadd.s32 $0xFFFFFFB0  }
0xef: {  	[spmem:s2] =	stream.indirect.scatter.add.f32 [tilespmem:s21], [sflag:$0x2], $0x80, s31, s18, $0xb8;
	[tilespmem:$0x19500] =	vst v63  }
0xf0: {  	_ =	swait.ge [sflag:s24], $0x50  }
0xf1: {  	[sflag:s24] =	ssyncset.done $0x0  }
0xf2: {  	s25 =	simm.s32 $0x19100;
	[sflag:s24] =	ssyncadd.s32 $0xFFFFFFB0  }
0xf3: {  	[tilespmem:s14], [sflag:$0x1] =	stream.indirect.gather [hbm4b:s1+s18], $0x80, s25, s18, $0xb8;
	[tilespmem:$0x19500] =	vst v63  }
0xf4: {  	_ =	swait.ge [sflag:s22], $0x2800  }
0xf5: {  	[sflag:s22] =	ssyncset.done $0x0  }
0xf6: {  	[sflag:s22] =	ssyncadd.s32 $0xFFFFD800  }
0xf7: {  	_ =	swait.ge [sflag:s15], $0x2800  }
0xf8: {  	[sflag:s15] =	ssyncset.done $0x0  }
0xf9: {  	[sflag:s15] =	ssyncadd.s32 $0xFFFFD800  }
0xfa: {  	_ =	swait.ge [sflag:s5], $0x50  }
0xfb: {  	[sflag:s5] =	ssyncset.done $0x0  }
0xfc: {  	[sflag:s5] =	ssyncadd.s32 $0xFFFFFFB0  }
0xfd: {  	[spmem:s2] =	stream.indirect.scatter.add.f32 [tilespmem:s14], [sflag:$0x2], $0x80, s0, s18, $0xb8;
	[tilespmem:$0x19500] =	vst v63  }
0xfe: {  	_ =	swait.ge [sflag:s6], $0x50  }
0xff: {  	[sflag:s6] =	ssyncset.done $0x0  }
0x100: {  	[sflag:s6] =	ssyncadd.s32 $0xFFFFFFB0  }
0x101: {  	[tilespmem:s21], [sflag:$0x1] =	stream.indirect.gather [hbm4b:s1+s18], $0x80, s29, s18, $0xb8;
	[tilespmem:$0x19500] =	vst v63  }
0x102: {  	_ =	swait.ge [sflag:s22], $0x2800  }
0x103: {  	[sflag:s22] =	ssyncset.done $0x0  }
0x104: {  	[sflag:s22] =	ssyncadd.s32 $0xFFFFD800  }
0x105: {  	_ =	swait.ge [sflag:s15], $0x2800  }
0x106: {  	[sflag:s15] =	ssyncset.done $0x0  }
0x107: {  	[sflag:s15] =	ssyncadd.s32 $0xFFFFD800  }
0x108: {  	_ =	swait.ge [sflag:s7], $0x50  }
0x109: {  	[sflag:s7] =	ssyncset.done $0x0  }
0x10a: {  	[sflag:s7] =	ssyncadd.s32 $0xFFFFFFB0  }
0x10b: {  	[spmem:s2] =	stream.indirect.scatter.add.f32 [tilespmem:s21], [sflag:$0x2], $0x80, s3, s18, $0xb8;
	[tilespmem:$0x19500] =	vst v63  }
0x10c: {  	_ =	swait.ge [sflag:s8], $0x50  }
0x10d: {  	[sflag:s8] =	ssyncset.done $0x0  }
0x10e: {  	s26 =	simm.s32 $0x19200;
	[sflag:s8] =	ssyncadd.s32 $0xFFFFFFB0  }
0x10f: {  	[tilespmem:s14], [sflag:$0x1] =	stream.indirect.gather [hbm4b:s1+s18], $0x80, s26, s18, $0xb8;
	[tilespmem:$0x19500] =	vst v63  }
0x110: {  	_ =	swait.ge [sflag:s22], $0x2800  }
0x111: {  	[sflag:s22] =	ssyncset.done $0x0  }
0x112: {  	[sflag:s22] =	ssyncadd.s32 $0xFFFFD800  }
0x113: {  	_ =	swait.ge [sflag:s15], $0x2800  }
0x114: {  	[sflag:s15] =	ssyncset.done $0x0  }
0x115: {  	[sflag:s15] =	ssyncadd.s32 $0xFFFFD800  }
0x116: {  	p0 =	sne.s32 s12, $0x4B0;
	_ =	swait.ge [sflag:s9], $0x50  }
.Ltmp1:
0x117: {  	[sflag:s9] =	ssyncset.done $0x0;
	(pc) =	sbr.rel @p0 .LBB2_4-.Ltmp1, $4  }
0x118: {  	[sflag:s9] =	ssyncadd.s32 $0xFFFFFFB0  }
0x119: {  	[spmem:s2] =	stream.indirect.scatter.add.f32 [tilespmem:s14], [sflag:$0x2], $0x80, s13, s18, $0xb8;
	[tilespmem:$0x19500] =	vst v63  }
0x11a: {  	_ =	swait.ge [sflag:s22], $0x2800  }
0x11b: {  	s12 =	sadd.s32 $0x32, s12;
	s10 =	rddreg [dreg:$0xe];
	[sflag:s22] =	ssyncset.done $0x0  }
0x11c: {  	s12 =	rddreg [dreg:$0xc];
	[sflag:s22] =	ssyncadd.s32 $0xFFFFD800;
	s10 =	sadd.s32 s11, s10  }
0x11d: {  	[tilespmem:s16], [sflag:$0x3] =	stream.linear.gather [hbm4b:s10+s4], $0x50, $0x38;
	[tilespmem:$0x19500] =	vst v63  }
0x11e: {  	s10 =	rddreg [dreg:$0xa];
	s12 =	sadd.s32 s11, s12  }
0x11f: {  	[tilespmem:s28], [sflag:$0x4] =	stream.linear.gather [hbm4b:s12+s4], $0x50, $0x38;
	[tilespmem:$0x19500] =	vst v63  }
0x120: {  	s10 =	sadd.s32 s11, s10;
	s12 =	rddreg [dreg:$0x8]  }
0x121: {  	[tilespmem:s25], [sflag:$0x5] =	stream.linear.gather [hbm4b:s10+s4], $0x50, $0x38;
	[tilespmem:$0x19500] =	vst v63  }
0x122: {  	s12 =	sadd.s32 s11, s12;
	s10 =	rddreg [dreg:$0x6]  }
0x123: {  	[tilespmem:s29], [sflag:$0x6] =	stream.linear.gather [hbm4b:s12+s4], $0x50, $0x38;
	[tilespmem:$0x19500] =	vst v63  }
0x124: {  	s10 =	sadd.s32 s11, s10;
	s12 =	rddreg [dreg:$0xd]  }
0x125: {  	[tilespmem:s26], [sflag:$0x7] =	stream.linear.gather [hbm4b:s10+s4], $0x50, $0x38;
	[tilespmem:$0x19500] =	vst v63  }
0x126: {  	s12 =	sadd.s32 s11, s12;
	s10 =	rddreg [dreg:$0xb]  }
0x127: {  	[tilespmem:s30], [sflag:$0x8] =	stream.linear.gather [hbm4b:s12+s4], $0x50, $0x38;
	[tilespmem:$0x19500] =	vst v63  }
0x128: {  	s10 =	sadd.s32 s11, s10;
	s12 =	rddreg [dreg:$0x9]  }
0x129: {  	[tilespmem:s31], [sflag:$0x9] =	stream.linear.gather [hbm4b:s10+s4], $0x50, $0x38;
	[tilespmem:$0x19500] =	vst v63  }
0x12a: {  	s12 =	sadd.s32 s11, s12;
	s10 =	rddreg [dreg:$0x7]  }
0x12b: {  	[tilespmem:s0], [sflag:$0xA] =	stream.linear.gather [hbm4b:s12+s4], $0x50, $0x38;
	[tilespmem:$0x19500] =	vst v63  }
0x12c: {  	s10 =	sadd.s32 s11, s10;
	s12 =	rddreg [dreg:$0x5]  }
0x12d: {  	[tilespmem:s3], [sflag:$0xB] =	stream.linear.gather [hbm4b:s10+s4], $0x50, $0x38;
	[tilespmem:$0x19500] =	vst v63  }
0x12e: {  	s12 =	sadd.s32 s11, s12  }
0x12f: {  	[tilespmem:s13], [sflag:$0xC] =	stream.linear.gather [hbm4b:s12+s4], $0x50, $0x38;
	[tilespmem:$0x19500] =	vst v63  }
0x130: {  	_ =	swait.ge [sflag:s17], $0x50  }
0x131: {  	[sflag:s17] =	ssyncset.done $0x0  }
0x132: {  	[sflag:s17] =	ssyncadd.s32 $0xFFFFFFB0  }
0x133: {  	[tilespmem:s14], [sflag:$0x1] =	stream.indirect.gather [hbm4b:s1+s18], $0x80, s16, s18, $0xb8;
	[tilespmem:$0x19500] =	vst v63  }
0x134: {  	_ =	swait.ge [sflag:s15], $0x2800  }
0x135: {  	[sflag:s15] =	ssyncset.done $0x0  }
0x136: {  	[sflag:s15] =	ssyncadd.s32 $0xFFFFD800  }
0x137: {  	_ =	swait.ge [sflag:s19], $0x50  }
0x138: {  	[sflag:s19] =	ssyncset.done $0x0  }
0x139: {  	[sflag:s19] =	ssyncadd.s32 $0xFFFFFFB0  }
0x13a: {  	[spmem:s2] =	stream.indirect.scatter.add.f32 [tilespmem:s14], [sflag:$0x2], $0x80, s30, s18, $0xb8;
	[tilespmem:$0x19500] =	vst v63  }
0x13b: {  	_ =	swait.ge [sflag:s20], $0x50  }
0x13c: {  	[sflag:s20] =	ssyncset.done $0x0  }
0x13d: {  	[sflag:s20] =	ssyncadd.s32 $0xFFFFFFB0  }
0x13e: {  	[tilespmem:s21], [sflag:$0x1] =	stream.indirect.gather [hbm4b:s1+s18], $0x80, s28, s18, $0xb8;
	[tilespmem:$0x19500] =	vst v63  }
0x13f: {  	_ =	swait.ge [sflag:s22], $0x2800  }
0x140: {  	[sflag:s22] =	ssyncset.done $0x0  }
0x141: {  	[sflag:s22] =	ssyncadd.s32 $0xFFFFD800  }
0x142: {  	_ =	swait.ge [sflag:s15], $0x2800  }
0x143: {  	[sflag:s15] =	ssyncset.done $0x0  }
0x144: {  	[sflag:s15] =	ssyncadd.s32 $0xFFFFD800  }
0x145: {  	_ =	swait.ge [sflag:s23], $0x50  }
0x146: {  	[sflag:s23] =	ssyncset.done $0x0  }
0x147: {  	[sflag:s23] =	ssyncadd.s32 $0xFFFFFFB0  }
0x148: {  	[spmem:s2] =	stream.indirect.scatter.add.f32 [tilespmem:s21], [sflag:$0x2], $0x80, s31, s18, $0xb8;
	[tilespmem:$0x19500] =	vst v63  }
0x149: {  	_ =	swait.ge [sflag:s24], $0x50  }
0x14a: {  	[sflag:s24] =	ssyncset.done $0x0  }
0x14b: {  	[sflag:s24] =	ssyncadd.s32 $0xFFFFFFB0  }
0x14c: {  	[tilespmem:s14], [sflag:$0x1] =	stream.indirect.gather [hbm4b:s1+s18], $0x80, s25, s18, $0xb8;
	[tilespmem:$0x19500] =	vst v63  }
0x14d: {  	_ =	swait.ge [sflag:s22], $0x2800  }
0x14e: {  	[sflag:s22] =	ssyncset.done $0x0  }
0x14f: {  	[sflag:s22] =	ssyncadd.s32 $0xFFFFD800  }
0x150: {  	_ =	swait.ge [sflag:s15], $0x2800  }
0x151: {  	[sflag:s15] =	ssyncset.done $0x0  }
0x152: {  	[sflag:s15] =	ssyncadd.s32 $0xFFFFD800  }
0x153: {  	_ =	swait.ge [sflag:s5], $0x50  }
0x154: {  	[sflag:s5] =	ssyncset.done $0x0  }
0x155: {  	[sflag:s5] =	ssyncadd.s32 $0xFFFFFFB0  }
0x156: {  	[spmem:s2] =	stream.indirect.scatter.add.f32 [tilespmem:s14], [sflag:$0x2], $0x80, s0, s18, $0xb8;
	[tilespmem:$0x19500] =	vst v63  }
0x157: {  	_ =	swait.ge [sflag:s6], $0x50  }
0x158: {  	[sflag:s6] =	ssyncset.done $0x0  }
0x159: {  	[sflag:s6] =	ssyncadd.s32 $0xFFFFFFB0  }
0x15a: {  	[tilespmem:s21], [sflag:$0x1] =	stream.indirect.gather [hbm4b:s1+s18], $0x80, s29, s18, $0xb8;
	[tilespmem:$0x19500] =	vst v63  }
0x15b: {  	_ =	swait.ge [sflag:s22], $0x2800  }
0x15c: {  	[sflag:s22] =	ssyncset.done $0x0  }
0x15d: {  	[sflag:s22] =	ssyncadd.s32 $0xFFFFD800  }
0x15e: {  	_ =	swait.ge [sflag:s15], $0x2800  }
0x15f: {  	[sflag:s15] =	ssyncset.done $0x0  }
0x160: {  	[sflag:s15] =	ssyncadd.s32 $0xFFFFD800  }
0x161: {  	_ =	swait.ge [sflag:s7], $0x50  }
0x162: {  	[sflag:s7] =	ssyncset.done $0x0  }
0x163: {  	[sflag:s7] =	ssyncadd.s32 $0xFFFFFFB0  }
0x164: {  	[spmem:s2] =	stream.indirect.scatter.add.f32 [tilespmem:s21], [sflag:$0x2], $0x80, s3, s18, $0xb8;
	[tilespmem:$0x19500] =	vst v63  }
0x165: {  	_ =	swait.ge [sflag:s8], $0x50  }
0x166: {  	[sflag:s8] =	ssyncset.done $0x0  }
0x167: {  	[sflag:s8] =	ssyncadd.s32 $0xFFFFFFB0  }
0x168: {  	[tilespmem:s14], [sflag:$0x1] =	stream.indirect.gather [hbm4b:s1+s18], $0x80, s26, s18, $0xb8;
	[tilespmem:$0x19500] =	vst v63  }
0x169: {  	_ =	swait.ge [sflag:s22], $0x2800  }
0x16a: {  	[sflag:s22] =	ssyncset.done $0x0  }
0x16b: {  	[sflag:s22] =	ssyncadd.s32 $0xFFFFD800  }
0x16c: {  	_ =	swait.ge [sflag:s15], $0x2800  }
0x16d: {  	[sflag:s15] =	ssyncset.done $0x0  }
0x16e: {  	[sflag:s15] =	ssyncadd.s32 $0xFFFFD800  }
0x16f: {  	_ =	swait.ge [sflag:s9], $0x50  }
0x170: {  	[sflag:s9] =	ssyncset.done $0x0  }
0x171: {  	[sflag:s9] =	ssyncadd.s32 $0xFFFFFFB0  }
0x172: {  	[spmem:s2] =	stream.indirect.scatter.add.f32 [tilespmem:s14], [sflag:$0x2], $0x80, s13, s18, $0xb8;
	[tilespmem:$0x19500] =	vst v63  }
0x173: {  	_ =	swait.ge [sflag:s22], $0x2800  }
0x174: {  	[sflag:s22] =	ssyncset.done $0x0  }
0x175: {  	[sflag:s22] =	ssyncadd.s32 $0xFFFFD800  }
0x176: {  	s11 =	stileid.u32;
	[bflag:$0x0] =	sbarrier.arrive $0xFFFF  }
0x177: {  	s10 =	sshll.u32 s11, $0x6;
	s25 =	rddreg [dreg:$0xf]  }
0x178: {  	s10 =	sor.u32 $0x1C01, s10;
	s26 =	rddreg [dreg:$0x18];
	s12 =	sshrl.u32 s25, $0x3  }
0x179: {  	[hbm:s26], [sflag:s10] =	dma.local [spmem:s12], $0x500  }
0x17a: {  	s26 =	rddreg [dreg:$0x10]  }
0x17b: {  	s12 =	rddreg [dreg:$0x19];
	s11 =	sshrl.u32 s26, $0x3  }
0x17c: {  	[hbm:s12], [sflag:s10] =	dma.local [spmem:s11], $0x500  }
0x17d: {  	s11 =	rddreg [dreg:$0x11]  }
0x17e: {  	s12 =	rddreg [dreg:$0x1a];
	s11 =	sshrl.u32 s11, $0x3  }
0x17f: {  	[hbm:s12], [sflag:s10] =	dma.local [spmem:s11], $0x500  }
0x180: {  	s11 =	rddreg [dreg:$0x12]  }
0x181: {  	s12 =	rddreg [dreg:$0x1b];
	s11 =	sshrl.u32 s11, $0x3  }
0x182: {  	[hbm:s12], [sflag:s10] =	dma.local [spmem:s11], $0x500  }
0x183: {  	s11 =	rddreg [dreg:$0x13]  }
0x184: {  	s12 =	rddreg [dreg:$0x1c];
	s11 =	sshrl.u32 s11, $0x3  }
0x185: {  	[hbm:s12], [sflag:s10] =	dma.local [spmem:s11], $0x500  }
0x186: {  	s11 =	rddreg [dreg:$0x14]  }
0x187: {  	s12 =	rddreg [dreg:$0x1d];
	s11 =	sshrl.u32 s11, $0x3  }
0x188: {  	[hbm:s12], [sflag:s10] =	dma.local [spmem:s11], $0x500  }
0x189: {  	s11 =	rddreg [dreg:$0x15]  }
0x18a: {  	s12 =	rddreg [dreg:$0x1e];
	s11 =	sshrl.u32 s11, $0x3  }
0x18b: {  	[hbm:s12], [sflag:s10] =	dma.local [spmem:s11], $0x500  }
0x18c: {  	s11 =	rddreg [dreg:$0x16]  }
0x18d: {  	s12 =	rddreg [dreg:$0x1f];
	s11 =	sshrl.u32 s11, $0x3  }
0x18e: {  	[hbm:s12], [sflag:s10] =	dma.local [spmem:s11], $0x500  }
0x18f: {  	_ =	swait.ge [sflag:s15], $0x500  }
0x190: {  	[sflag:s15] =	ssyncset.done $0x0  }
0x191: {  	[sflag:s15] =	ssyncadd.s32 $0xFFFFFB00  }
0x192: {  	_ =	swait.ge [sflag:s15], $0x500  }
0x193: {  	[sflag:s15] =	ssyncset.done $0x0  }
0x194: {  	[sflag:s15] =	ssyncadd.s32 $0xFFFFFB00  }
0x195: {  	_ =	swait.ge [sflag:s15], $0x500  }
0x196: {  	[sflag:s15] =	ssyncset.done $0x0  }
0x197: {  	[sflag:s15] =	ssyncadd.s32 $0xFFFFFB00  }
0x198: {  	_ =	swait.ge [sflag:s15], $0x500  }
0x199: {  	[sflag:s15] =	ssyncset.done $0x0  }
0x19a: {  	[sflag:s15] =	ssyncadd.s32 $0xFFFFFB00  }
0x19b: {  	_ =	swait.ge [sflag:s15], $0x500  }
0x19c: {  	[sflag:s15] =	ssyncset.done $0x0  }
0x19d: {  	[sflag:s15] =	ssyncadd.s32 $0xFFFFFB00  }
0x19e: {  	_ =	swait.ge [sflag:s15], $0x500  }
0x19f: {  	[sflag:s15] =	ssyncset.done $0x0  }
0x1a0: {  	[sflag:s15] =	ssyncadd.s32 $0xFFFFFB00  }
0x1a1: {  	_ =	swait.ge [sflag:s15], $0x500  }
0x1a2: {  	[sflag:s15] =	ssyncset.done $0x0  }
0x1a3: {  	[sflag:s15] =	ssyncadd.s32 $0xFFFFFB00  }
0x1a4: {  	_ =	swait.ge [sflag:s15], $0x500  }
0x1a5: {  	s10 =	sld [smem:$0x7FD];
	_ =	sdelay $0x2  }
0x1a6: {  	s12 =	rddreg [dreg:$0x17];
	s11 =	sadd.s32 $0x1, s10  }
0x1a7: {  	p0 =	sne.s32 s11, s12  }
.Ltmp2:
0x1a8: {  	_ = 	snop;
	(pc) =	sbr.rel @p0 .LBB2_1-.Ltmp2, $3  }
0x1a9: {  	_ =	sdelay $0x1  }
0x1aa: {  	[sflag:s15] =	ssyncset.done $0x0  }
0x1ab: {  	[sflag:s15] =	ssyncadd.s32 $0xFFFFFB00  }
0x1ac: {  	_ =	sfence.sel $0x180000  }
0x1ad: {  	[bflag:$0x0] =	sbarrier.arrive $0xFFFF  }
0x1ae: {  	_ =	strace $0x90000047  }
0x1af: {  	s0 =	stileid.u32;
	[bflag:$0x2] =	sbarrier.arrive $0xFFFF  }
0x1b0: {  	p0 =	sne.s32 s0, $0x0;
	s0 =	rddreg [dreg:$0x4]  }
0x1b1: {  	s0 =	sadd.s32 @!p0 $0x100000, s0  }
0x1b2: {  	[sflag:s0] =	ssyncadd.tile.s32 @!p0 $0x1;
	_ =	shalt  }
.Lfunc_end2:
_tile_overlayer_lowered:
.L_overlay_start_2:
0x1b3: {  	(tag) =	ssettag $0x2  }
0x1b4: {  	s0 =	rddreg [dreg:$0x0];
	s2 =	stileid.u32  }
0x1b5: {  	s1 =	rddreg [dreg:$0x1];
	p0 =	sne.s32 s2, $0x0  }
0x1b6: {  	s3 =	rddreg [dreg:$0x2];
	[bflag:$0x3] =	sbarrier.arrive $0xFFFF;
	s2 =	simm.s32 @!p0 $0x1C0D  }
0x1b7: {  	[timem:s3], [sflag:s2] =	dma.local @!p0 [hbm:s0], s1  }
0x1b8: {  	s0 =	simm.s32 @!p0 $0xD  }
0x1b9: {  	_ =	swait.ge @!p0 [sflag:s0], s1  }
0x1ba: {  	s1 =	ssub.s32 @!p0 $0x0, s1;
	[sflag:s0] =	ssyncset.done @!p0 $0x0  }
0x1bb: {  	[sflag:s0] =	ssyncadd.s32 @!p0 s1  }
0x1bc: {  	[bflag:$0x3] =	sbarrier.arrive $0xFFFF  }
0x1bd: {  	_ =	shalt  }

</sc_bundles>
